<compile_context>
chip_gen: v7x
topology: tpu7x:2x2x1
jax: 0.10.2.dev20260603
libtpu: 0.0.44.dev20260713+nightly
codegen_flags: <defaults>
</compile_context>

<pallas_src>
import functools

import jax
import jax.numpy as jnp
from jax import lax
from jax.experimental import pallas as pl
from jax.experimental.pallas import tpu as pltpu
from jax.experimental.pallas import tpu_sc as plsc

D_MODEL = 512
MEM_SIZE = 100000
BATCH = 4096
TOP_K = 16

C_MEM = 2048
MEM_PAD = 100352
MC = MEM_PAD // C_MEM
TQ = 256
QT = BATCH // TQ
G = 128
NG = MEM_PAD // G
NG_C = C_MEM // G
CAND = TOP_K * G

_NEG_INF = float("-inf")


def _normalize_rows(x):
    n = jnp.sqrt(jnp.sum(x * x, axis=-1, keepdims=True))
    return x / jnp.maximum(n, 1e-12)


def _matmul_gmax_body(q_ref, m_ref, sims_ref, gmax_ref):
    mc = pl.program_id(0)
    sims = lax.dot_general(
        q_ref[...], m_ref[...],
        dimension_numbers=(((1,), (1,)), ((), ())),
        preferred_element_type=jnp.float32,
        precision=lax.Precision.DEFAULT,
    )
    col = mc * C_MEM + lax.broadcasted_iota(jnp.int32, (TQ, C_MEM), 1)
    bad = (sims > 0.999) | (sims < 0.0) | (col >= MEM_SIZE)
    sims = jnp.where(bad, _NEG_INF, sims)
    sims_ref[...] = sims
    gmax_ref[...] = jnp.max(sims.reshape(TQ, NG_C, G), axis=-1)[None]


def _matmul_gmax(q_n, mem_n, interpret=False):
    return pl.pallas_call(
        _matmul_gmax_body,
        grid=(MC, QT),
        in_specs=[
            pl.BlockSpec((TQ, D_MODEL), lambda mc, qt: (qt, 0)),
            pl.BlockSpec((C_MEM, D_MODEL), lambda mc, qt: (mc, 0)),
        ],
        out_specs=[
            pl.BlockSpec((TQ, C_MEM), lambda mc, qt: (qt, mc)),
            pl.BlockSpec((1, TQ, NG_C), lambda mc, qt: (mc, qt, 0)),
        ],
        out_shape=[
            jax.ShapeDtypeStruct((BATCH, MEM_PAD), jnp.float32),
            jax.ShapeDtypeStruct((MC, BATCH, NG_C), jnp.float32),
        ],
        interpret=interpret,
    )(q_n, mem_n)


def _extract_topk(vals, ids):
    big = jnp.int32(2**31 - 1)
    out_v, out_i = [], []
    for _ in range(TOP_K):
        m = jnp.max(vals, axis=1, keepdims=True)
        sel = jnp.min(jnp.where(vals == m, ids, big), axis=1, keepdims=True)
        out_v.append(m)
        out_i.append(sel)
        vals = jnp.where(ids == sel, _NEG_INF, vals)
    return jnp.concatenate(out_v, axis=1), jnp.concatenate(out_i, axis=1)


TQ3 = 1024


def _group_select_body(gmax_ref, grow_ref):
    qt = pl.program_id(0)
    gid = lax.broadcasted_iota(jnp.int32, (TQ3, NG), 1)
    _, sel = _extract_topk(gmax_ref[...], gid)
    row = qt * TQ3 + lax.broadcasted_iota(jnp.int32, (TQ3, TOP_K), 0)
    grow_ref[...] = row * NG + sel


def _group_select(gmax, interpret=False):
    return pl.pallas_call(
        _group_select_body,
        grid=(BATCH // TQ3,),
        in_specs=[pl.BlockSpec((TQ3, NG), lambda i: (i, 0))],
        out_specs=pl.BlockSpec((TQ3, TOP_K), lambda i: (i, 0)),
        out_shape=jax.ShapeDtypeStruct((BATCH, TOP_K), jnp.int32),
        interpret=interpret,
    )(gmax)


TQ5 = 512


def _final_select_body(cand_ref, grow_ref, val_ref, idx_ref):
    qt = pl.program_id(0)
    row = qt * TQ5 + lax.broadcasted_iota(jnp.int32, (TQ5, 1), 0)
    lane = lax.broadcasted_iota(jnp.int32, (TQ5, G), 1)
    cols = []
    for k in range(TOP_K):
        g = grow_ref[...][:, k:k + 1] - row * NG
        cols.append(g * G + lane)
    colfull = jnp.concatenate(cols, axis=1)
    v, i = _extract_topk(cand_ref[...], colfull)
    val_ref[...] = v
    idx_ref[...] = i


def _final_select(cand, grow, interpret=False):
    return pl.pallas_call(
        _final_select_body,
        grid=(BATCH // TQ5,),
        in_specs=[
            pl.BlockSpec((TQ5, CAND), lambda i: (i, 0)),
            pl.BlockSpec((TQ5, TOP_K), lambda i: (i, 0)),
        ],
        out_specs=[
            pl.BlockSpec((TQ5, TOP_K), lambda i: (i, 0)),
            pl.BlockSpec((TQ5, TOP_K), lambda i: (i, 0)),
        ],
        out_shape=[
            jax.ShapeDtypeStruct((BATCH, TOP_K), jnp.float32),
            jax.ShapeDtypeStruct((BATCH, TOP_K), jnp.int32),
        ],
        interpret=interpret,
    )(cand, grow)


_NC, _NS = 2, 16
_NW = _NC * _NS
_GROWS = BATCH * TOP_K
_BPW = _GROWS // _NW


def _sc_gather_body(ch, nch, table_hbm, idx_hbm, out_hbm, idx_v, rows_v, sem):
    wid = lax.axis_index("s") * _NC + lax.axis_index("c")
    base = wid * _BPW

    def step(j, carry):
        off = pl.multiple_of(base + j * ch, ch)
        pltpu.sync_copy(idx_hbm.at[pl.ds(off, ch)], idx_v)
        pltpu.async_copy(table_hbm.at[idx_v], rows_v, sem).wait()
        pltpu.sync_copy(rows_v, out_hbm.at[pl.ds(off, ch)])
        return carry

    lax.fori_loop(0, nch, step, 0)


def _sc_gather(table, flat_idx, ch):
    d = table.shape[1]
    mesh = plsc.VectorSubcoreMesh(core_axis_name="c", subcore_axis_name="s")
    run = functools.partial(
        pl.kernel,
        mesh=mesh,
        out_type=jax.ShapeDtypeStruct((_GROWS, d), jnp.float32),
        scratch_types=[
            pltpu.VMEM((ch,), jnp.int32),
            pltpu.VMEM((ch, d), jnp.float32),
            pltpu.SemaphoreType.DMA,
        ],
    )(functools.partial(_sc_gather_body, ch, _BPW // ch))
    return run(table, flat_idx)


def kernel(queries, memory_bank):
    mem_n = jnp.pad(_normalize_rows(memory_bank), ((0, MEM_PAD - MEM_SIZE), (0, 0)))
    q_n = _normalize_rows(queries)
    sims, gmax3 = _matmul_gmax(q_n, mem_n)
    gmax = gmax3.transpose(1, 0, 2).reshape(BATCH, NG)
    grow = _group_select(gmax)
    cand = _sc_gather(sims.reshape(BATCH * NG, G), grow.reshape(-1), ch=512)
    top_sims, top_idx = _final_select(cand.reshape(BATCH, CAND), grow)
    retrieved = _sc_gather(mem_n, top_idx.reshape(-1), ch=128)
    retrieved = retrieved.reshape(BATCH, TOP_K, D_MODEL)
    mask = top_sims > _NEG_INF
    return retrieved, top_sims, mask

# --- scband reference (transcript-rebuilt; emitter-appended) ---
"""Pipeline reference for scband-series-memory-bank-41077067219100 (READ-ONLY COPY).

The authoritative reference and input builder live on the scoring server;
editing this copy changes nothing except your own understanding.
"""

import jax, jax.numpy as jnp
import numpy as np

D_MODEL = 512
MEM_SIZE = 100000
BATCH = 4096
TOP_K = 16
THRESHOLD = 0.0


def _l2_normalize(x, eps=1e-12):
    n = jnp.sqrt(jnp.sum(x * x, axis=-1, keepdims=True))
    return x / jnp.maximum(n, eps)


def setup_inputs(seed: int = 0) -> dict:
    key = jax.random.key(seed)
    k1, k2 = jax.random.split(key)
    queries = jax.random.normal(k1, (BATCH, D_MODEL), dtype=jnp.float32)
    memory_bank = jax.random.normal(k2, (MEM_SIZE, D_MODEL), dtype=jnp.float32)
    return {"queries": queries, "memory_bank": memory_bank}


def reference(queries, memory_bank):
    # add_memories() normalizes representations before storing them,
    # so the active bank is unit-normalized (normalize_memories=True).
    mem = _l2_normalize(memory_bank)
    # retrieve() normalizes the query as well.
    q = _l2_normalize(queries)
    # cosine similarities: (BATCH, MEM_SIZE)
    sims = jnp.matmul(q, mem.T)
    neg_inf = jnp.float32(-jnp.inf)
    # exclude_self=True: mask near-exact matches
    sims = jnp.where(sims > 0.999, neg_inf, sims)
    # similarity threshold mask
    valid = sims >= THRESHOLD
    sims = jnp.where(valid, sims, neg_inf)
    # k = min(top_k, current_count) = TOP_K since bank is full
    top_sims, top_idx = jax.lax.top_k(sims, TOP_K)
    retrieved = jnp.take(mem, top_idx, axis=0)  # (BATCH, TOP_K, D_MODEL)
    mask = top_sims > neg_inf
    return retrieved, top_sims, mask

if __name__ == "__main__":
    import jax
    _d = setup_inputs()
    print(jax.jit(kernel)(*tuple(_d.values())))

</pallas_src>

<mosaic_0001>
#map = affine_map<(d0, d1) -> (0, 0)>
#map1 = affine_map<(d0, d1) -> (0)>
module attributes {stable_mosaic.version = 14 : i64} {
  func.func @_sc_gather_body(%arg0: i32, %arg1: i32, %arg2: memref<3211264x128xf32, #tpu.memory_space<hbm>>, %arg3: memref<65536xi32, #tpu.memory_space<hbm>>, %arg4: memref<65536x128xf32, #tpu.memory_space<hbm>>, %arg5: memref<512xi32, #tpu.memory_space<vmem>>, %arg6: memref<512x128xf32, #tpu.memory_space<vmem>>, %arg7: memref<!tpu.dma_semaphore, #tpu.memory_space<semaphore_mem>>) attributes {dimension_semantics = [#tpu.dimension_semantics<core_parallel>, #tpu.dimension_semantics<subcore_parallel>], iteration_bounds = array<i64: 2, 16>, scalar_prefetch = 0 : i64, scratch_operands = 3 : i64, tpu.core_type = #tpu.core_type<sc_vector_subcore>, window_params = [{transform_indices = #map}, {transform_indices = #map1}, {transform_indices = #map}]} {
    %mul3A = arith.constant 2 : i32
    %mul3A_0 = arith.muli %arg1, %mul3A : i32
    %add3A = arith.addi %mul3A_0, %arg0 : i32
    %mul3A_1 = arith.constant 2048 : i32
    %mul3A_2 = arith.muli %add3A, %mul3A_1 : i32
    %scan3A = arith.constant 0 : i32
    %scan3A_3 = arith.constant 0 : i32
    %scan3A_4 = arith.constant 4 : i32
    %scan3A_5 = arith.addi %scan3A_3, %scan3A_4 : i32
    %scan3A_6 = arith.constant 1 : i32
    scf.for %scan3A_8 = %scan3A_3 to %scan3A_5 step %scan3A_6  : i32 {
      %mul3A_9 = arith.constant 512 : i32
      %mul3A_10 = arith.muli %scan3A_8, %mul3A_9 : i32
      %add3A_11 = arith.addi %mul3A_2, %mul3A_10 : i32
      %multiple_of3A = tpu.assume_multiple %add3A_11, 512 : i32
      "tpu.region"() ({
        %run_scoped3A = tpu.sem_alloc : memref<!tpu.dma_semaphore, #tpu.memory_space<semaphore_mem>>
        %dma_start3A_16 = tpu.memref_slice %arg3[%multiple_of3A] : memref<65536xi32, #tpu.memory_space<hbm>> -> memref<512xi32, #tpu.memory_space<hbm>>
        %dma_start3A_17 = tpu.memref_slice %arg3[%multiple_of3A] : memref<65536xi32, #tpu.memory_space<hbm>> -> memref<512xi32, #tpu.memory_space<hbm>>
        tpu.enqueue_dma source(%dma_start3A_17 : memref<512xi32, #tpu.memory_space<hbm>>) target(%arg5 : memref<512xi32, #tpu.memory_space<vmem>>) target_semaphore(%run_scoped3A : memref<!tpu.dma_semaphore, #tpu.memory_space<semaphore_mem>>)
        %dma_wait3A_18 = tpu.memref_slice %arg3[%multiple_of3A] : memref<65536xi32, #tpu.memory_space<hbm>> -> memref<512xi32, #tpu.memory_space<hbm>>
        %dma_wait3A_19 = tpu.memref_slice %arg3[%multiple_of3A] : memref<65536xi32, #tpu.memory_space<hbm>> -> memref<512xi32, #tpu.memory_space<hbm>>
        tpu.wait_dma2 semaphore(%run_scoped3A : memref<!tpu.dma_semaphore, #tpu.memory_space<semaphore_mem>>) src(%dma_wait3A_19 : memref<512xi32, #tpu.memory_space<hbm>>) dst(%arg5 : memref<512xi32, #tpu.memory_space<vmem>>)
        tpu.yield
      }) : () -> ()
      %dma_start3A = arith.constant 0 : i32
      %dma_start3A_12 = arith.constant 0 : i32
      %dma_start3A_13 = tpu.memref_slice %arg2[%dma_start3A, %dma_start3A_12] : memref<3211264x128xf32, #tpu.memory_space<hbm>> -> memref<3211264x128xf32, #tpu.memory_space<hbm>>
      tpu.enqueue_indirect_dma source(%dma_start3A_13 : memref<3211264x128xf32, #tpu.memory_space<hbm>>) target(%arg6 : memref<512x128xf32, #tpu.memory_space<vmem>>) offsets(%arg5 : memref<512xi32, #tpu.memory_space<vmem>>) semaphore(%arg7 : memref<!tpu.dma_semaphore, #tpu.memory_space<semaphore_mem>>)
      %dma_wait3A = arith.constant 0 : i32
      %dma_wait3A_14 = arith.constant 0 : i32
      %dma_wait3A_15 = tpu.memref_slice %arg2[%dma_wait3A, %dma_wait3A_14] : memref<3211264x128xf32, #tpu.memory_space<hbm>> -> memref<3211264x128xf32, #tpu.memory_space<hbm>>
      tpu.wait_indirect_dma semaphore(%arg7 : memref<!tpu.dma_semaphore, #tpu.memory_space<semaphore_mem>>) src(%dma_wait3A_15 : memref<3211264x128xf32, #tpu.memory_space<hbm>>) dst(%arg6 : memref<512x128xf32, #tpu.memory_space<vmem>>)
      "tpu.region"() ({
        %run_scoped3A = tpu.sem_alloc : memref<!tpu.dma_semaphore, #tpu.memory_space<semaphore_mem>>
        %dma_start3A_16 = arith.constant 0 : i32
        %dma_start3A_17 = tpu.memref_slice %arg4[%multiple_of3A, %dma_start3A_16] : memref<65536x128xf32, #tpu.memory_space<hbm>> -> memref<512x128xf32, #tpu.memory_space<hbm>>
        %dma_start3A_18 = arith.constant 0 : i32
        %dma_start3A_19 = tpu.memref_slice %arg4[%multiple_of3A, %dma_start3A_18] : memref<65536x128xf32, #tpu.memory_space<hbm>> -> memref<512x128xf32, #tpu.memory_space<hbm>>
        tpu.enqueue_dma source(%arg6 : memref<512x128xf32, #tpu.memory_space<vmem>>) target(%dma_start3A_19 : memref<512x128xf32, #tpu.memory_space<hbm>>) target_semaphore(%run_scoped3A : memref<!tpu.dma_semaphore, #tpu.memory_space<semaphore_mem>>)
        %dma_wait3A_20 = arith.constant 0 : i32
        %dma_wait3A_21 = tpu.memref_slice %arg4[%multiple_of3A, %dma_wait3A_20] : memref<65536x128xf32, #tpu.memory_space<hbm>> -> memref<512x128xf32, #tpu.memory_space<hbm>>
        %dma_wait3A_22 = arith.constant 0 : i32
        %dma_wait3A_23 = tpu.memref_slice %arg4[%multiple_of3A, %dma_wait3A_22] : memref<65536x128xf32, #tpu.memory_space<hbm>> -> memref<512x128xf32, #tpu.memory_space<hbm>>
        tpu.wait_dma2 semaphore(%run_scoped3A : memref<!tpu.dma_semaphore, #tpu.memory_space<semaphore_mem>>) src(%arg6 : memref<512x128xf32, #tpu.memory_space<vmem>>) dst(%dma_wait3A_23 : memref<512x128xf32, #tpu.memory_space<hbm>>)
        tpu.yield
      }) : () -> ()
    }
    %scan3A_7 = arith.constant 4 : i32
    return
  }
}

#map = affine_map<(d0, d1) -> (0, 0)>
#map1 = affine_map<(d0, d1) -> (0)>
module attributes {stable_mosaic.version = 14 : i64} {
  func.func @_sc_gather_body(%arg0: i32, %arg1: i32, %arg2: memref<100352x512xf32, #tpu.memory_space<hbm>>, %arg3: memref<65536xi32, #tpu.memory_space<hbm>>, %arg4: memref<65536x512xf32, #tpu.memory_space<hbm>>, %arg5: memref<128xi32, #tpu.memory_space<vmem>>, %arg6: memref<128x512xf32, #tpu.memory_space<vmem>>, %arg7: memref<!tpu.dma_semaphore, #tpu.memory_space<semaphore_mem>>) attributes {dimension_semantics = [#tpu.dimension_semantics<core_parallel>, #tpu.dimension_semantics<subcore_parallel>], iteration_bounds = array<i64: 2, 16>, scalar_prefetch = 0 : i64, scratch_operands = 3 : i64, tpu.core_type = #tpu.core_type<sc_vector_subcore>, window_params = [{transform_indices = #map}, {transform_indices = #map1}, {transform_indices = #map}]} {
    %mul3A = arith.constant 2 : i32
    %mul3A_0 = arith.muli %arg1, %mul3A : i32
    %add3A = arith.addi %mul3A_0, %arg0 : i32
    %mul3A_1 = arith.constant 2048 : i32
    %mul3A_2 = arith.muli %add3A, %mul3A_1 : i32
    %scan3A = arith.constant 0 : i32
    %scan3A_3 = arith.constant 0 : i32
    %scan3A_4 = arith.constant 16 : i32
    %scan3A_5 = arith.addi %scan3A_3, %scan3A_4 : i32
    %scan3A_6 = arith.constant 1 : i32
    scf.for %scan3A_8 = %scan3A_3 to %scan3A_5 step %scan3A_6  : i32 {
      %mul3A_9 = arith.constant 128 : i32
      %mul3A_10 = arith.muli %scan3A_8, %mul3A_9 : i32
      %add3A_11 = arith.addi %mul3A_2, %mul3A_10 : i32
      %multiple_of3A = tpu.assume_multiple %add3A_11, 128 : i32
      "tpu.region"() ({
        %run_scoped3A = tpu.sem_alloc : memref<!tpu.dma_semaphore, #tpu.memory_space<semaphore_mem>>
        %dma_start3A_16 = tpu.memref_slice %arg3[%multiple_of3A] : memref<65536xi32, #tpu.memory_space<hbm>> -> memref<128xi32, #tpu.memory_space<hbm>>
        %dma_start3A_17 = tpu.memref_slice %arg3[%multiple_of3A] : memref<65536xi32, #tpu.memory_space<hbm>> -> memref<128xi32, #tpu.memory_space<hbm>>
        tpu.enqueue_dma source(%dma_start3A_17 : memref<128xi32, #tpu.memory_space<hbm>>) target(%arg5 : memref<128xi32, #tpu.memory_space<vmem>>) target_semaphore(%run_scoped3A : memref<!tpu.dma_semaphore, #tpu.memory_space<semaphore_mem>>)
        %dma_wait3A_18 = tpu.memref_slice %arg3[%multiple_of3A] : memref<65536xi32, #tpu.memory_space<hbm>> -> memref<128xi32, #tpu.memory_space<hbm>>
        %dma_wait3A_19 = tpu.memref_slice %arg3[%multiple_of3A] : memref<65536xi32, #tpu.memory_space<hbm>> -> memref<128xi32, #tpu.memory_space<hbm>>
        tpu.wait_dma2 semaphore(%run_scoped3A : memref<!tpu.dma_semaphore, #tpu.memory_space<semaphore_mem>>) src(%dma_wait3A_19 : memref<128xi32, #tpu.memory_space<hbm>>) dst(%arg5 : memref<128xi32, #tpu.memory_space<vmem>>)
        tpu.yield
      }) : () -> ()
      %dma_start3A = arith.constant 0 : i32
      %dma_start3A_12 = arith.constant 0 : i32
      %dma_start3A_13 = tpu.memref_slice %arg2[%dma_start3A, %dma_start3A_12] : memref<100352x512xf32, #tpu.memory_space<hbm>> -> memref<100352x512xf32, #tpu.memory_space<hbm>>
      tpu.enqueue_indirect_dma source(%dma_start3A_13 : memref<100352x512xf32, #tpu.memory_space<hbm>>) target(%arg6 : memref<128x512xf32, #tpu.memory_space<vmem>>) offsets(%arg5 : memref<128xi32, #tpu.memory_space<vmem>>) semaphore(%arg7 : memref<!tpu.dma_semaphore, #tpu.memory_space<semaphore_mem>>)
      %dma_wait3A = arith.constant 0 : i32
      %dma_wait3A_14 = arith.constant 0 : i32
      %dma_wait3A_15 = tpu.memref_slice %arg2[%dma_wait3A, %dma_wait3A_14] : memref<100352x512xf32, #tpu.memory_space<hbm>> -> memref<100352x512xf32, #tpu.memory_space<hbm>>
      tpu.wait_indirect_dma semaphore(%arg7 : memref<!tpu.dma_semaphore, #tpu.memory_space<semaphore_mem>>) src(%dma_wait3A_15 : memref<100352x512xf32, #tpu.memory_space<hbm>>) dst(%arg6 : memref<128x512xf32, #tpu.memory_space<vmem>>)
      "tpu.region"() ({
        %run_scoped3A = tpu.sem_alloc : memref<!tpu.dma_semaphore, #tpu.memory_space<semaphore_mem>>
        %dma_start3A_16 = arith.constant 0 : i32
        %dma_start3A_17 = tpu.memref_slice %arg4[%multiple_of3A, %dma_start3A_16] : memref<65536x512xf32, #tpu.memory_space<hbm>> -> memref<128x512xf32, #tpu.memory_space<hbm>>
        %dma_start3A_18 = arith.constant 0 : i32
        %dma_start3A_19 = tpu.memref_slice %arg4[%multiple_of3A, %dma_start3A_18] : memref<65536x512xf32, #tpu.memory_space<hbm>> -> memref<128x512xf32, #tpu.memory_space<hbm>>
        tpu.enqueue_dma source(%arg6 : memref<128x512xf32, #tpu.memory_space<vmem>>) target(%dma_start3A_19 : memref<128x512xf32, #tpu.memory_space<hbm>>) target_semaphore(%run_scoped3A : memref<!tpu.dma_semaphore, #tpu.memory_space<semaphore_mem>>)
        %dma_wait3A_20 = arith.constant 0 : i32
        %dma_wait3A_21 = tpu.memref_slice %arg4[%multiple_of3A, %dma_wait3A_20] : memref<65536x512xf32, #tpu.memory_space<hbm>> -> memref<128x512xf32, #tpu.memory_space<hbm>>
        %dma_wait3A_22 = arith.constant 0 : i32
        %dma_wait3A_23 = tpu.memref_slice %arg4[%multiple_of3A, %dma_wait3A_22] : memref<65536x512xf32, #tpu.memory_space<hbm>> -> memref<128x512xf32, #tpu.memory_space<hbm>>
        tpu.wait_dma2 semaphore(%run_scoped3A : memref<!tpu.dma_semaphore, #tpu.memory_space<semaphore_mem>>) src(%arg6 : memref<128x512xf32, #tpu.memory_space<vmem>>) dst(%dma_wait3A_23 : memref<128x512xf32, #tpu.memory_space<hbm>>)
        tpu.yield
      }) : () -> ()
    }
    %scan3A_7 = arith.constant 16 : i32
    return
  }
}

module attributes {stable_mosaic.version = 14 : i64} {
  func.func @_matmul_gmax_body(%arg0: i32, %arg1: i32, %arg2: memref<256x512xf32, #tpu.memory_space<vmem>>, %arg3: memref<2048x512xf32, #tpu.memory_space<vmem>>, %arg4: memref<256x2048xf32, #tpu.memory_space<vmem>>, %arg5: memref<1x256x16xf32, #tpu.memory_space<vmem>>) attributes {dimension_semantics = [#tpu.dimension_semantics<arbitrary>, #tpu.dimension_semantics<arbitrary>], iteration_bounds = array<i64: 49, 16>, scalar_prefetch = 0 : i64, scratch_operands = 0 : i64, tpu.core_type = #tpu.core_type<tc>, window_params = [{transform_indices = @transform_0, window_bounds = array<i64: 256, 512>}, {transform_indices = @transform_1, window_bounds = array<i64: 2048, 512>}, {transform_indices = @transform_2, window_bounds = array<i64: 256, 2048>}, {transform_indices = @transform_3, window_bounds = array<i64: 1, 256, 16>}]} {
    %get3A = arith.constant 0 : index
    %get3A_0 = arith.constant 0 : index
    %get3A_1 = vector.load %arg2[%get3A, %get3A_0] : memref<256x512xf32, #tpu.memory_space<vmem>>, vector<256x512xf32>
    %get3A_2 = arith.constant 0 : index
    %get3A_3 = arith.constant 0 : index
    %get3A_4 = vector.load %arg3[%get3A_2, %get3A_3] : memref<2048x512xf32, #tpu.memory_space<vmem>>, vector<2048x512xf32>
    %dot_general3A = arith.constant dense<0.000000e+00> : vector<256x2048xf32>
    %dot_general3A_5 = tpu.matmul %get3A_1, %get3A_4, %dot_general3A {dimension_numbers = #tpu.dot_dimension_numbers<[1], [1], [0], [0], [0, 0, 1, 0], [], []>, transpose_lhs_hint = false} : vector<256x512xf32>, vector<2048x512xf32>, vector<256x2048xf32> -> vector<256x2048xf32>
    %mul3A = arith.constant 2048 : i32
    %mul3A_6 = arith.muli %arg0, %mul3A : i32
    %iota3A = tpu.iota {dimensions = array<i32: 1>} : vector<256x2048xi32>
    %add3A = vector.broadcast %mul3A_6 : i32 to vector<256x2048xi32>
    %add3A_7 = arith.addi %add3A, %iota3A : vector<256x2048xi32>
    %gt3A = arith.constant 9.990000e-01 : f32
    %gt3A_8 = vector.broadcast %gt3A : f32 to vector<256x2048xf32>
    %gt3A_9 = arith.cmpf ogt, %dot_general3A_5, %gt3A_8 : vector<256x2048xf32>
    %lt3A = arith.constant 0.000000e+00 : f32
    %lt3A_10 = vector.broadcast %lt3A : f32 to vector<256x2048xf32>
    %lt3A_11 = arith.cmpf olt, %dot_general3A_5, %lt3A_10 : vector<256x2048xf32>
    %or3A = arith.ori %gt3A_9, %lt3A_11 : vector<256x2048xi1>
    %ge3A = arith.constant 100000 : i32
    %ge3A_12 = vector.broadcast %ge3A : i32 to vector<256x2048xi32>
    %ge3A_13 = arith.cmpi sge, %add3A_7, %ge3A_12 : vector<256x2048xi32>
    %or3A_14 = arith.ori %or3A, %ge3A_13 : vector<256x2048xi1>
    %jit3A = arith.constant 0xFF800000 : f32
    %broadcast_in_dim3A = vector.broadcast %jit3A : f32 to vector<256x2048xf32>
    %select_n3A = arith.select %or3A_14, %broadcast_in_dim3A, %dot_general3A_5 : vector<256x2048xi1>, vector<256x2048xf32>
    %swap3A = arith.constant 0 : index
    %swap3A_15 = arith.constant 0 : index
    %swap3A_16 = vector.load %arg4[%swap3A, %swap3A_15] : memref<256x2048xf32, #tpu.memory_space<vmem>>, vector<256x2048xf32>
    tpu.vector_store %arg4[%swap3A, %swap3A_15], %select_n3A {strides = array<i32>} : memref<256x2048xf32, #tpu.memory_space<vmem>>, vector<256x2048xf32>,
    %reshape3A = vector.shape_cast %select_n3A : vector<256x2048xf32> to vector<256x16x128xf32>
    %reduce_max3A = arith.constant dense<0xFF800000> : vector<256x16xf32>
    %reduce_max3A_17 = vector.multi_reduction <maximumf>, %reshape3A, %reduce_max3A [2] : vector<256x16x128xf32> to vector<256x16xf32>
    %broadcast_in_dim3A_18 = vector.shape_cast %reduce_max3A_17 : vector<256x16xf32> to vector<1x256x16xf32>
    %swap3A_19 = arith.constant 0 : index
    %swap3A_20 = arith.constant 0 : index
    %swap3A_21 = arith.constant 0 : index
    %swap3A_22 = vector.load %arg5[%swap3A_19, %swap3A_20, %swap3A_21] : memref<1x256x16xf32, #tpu.memory_space<vmem>>, vector<1x256x16xf32>
    tpu.vector_store %arg5[%swap3A_19, %swap3A_20, %swap3A_21], %broadcast_in_dim3A_18 {strides = array<i32>} : memref<1x256x16xf32, #tpu.memory_space<vmem>>, vector<1x256x16xf32>,
    return
  }
  func.func @transform_0(%arg0: i32, %arg1: i32) -> (i32, i32) {
    %c0_i32 = arith.constant 0 : i32
    %c0_i32_0 = arith.constant 0 : i32
    return %arg1, %c0_i32 : i32, i32
  }
  func.func @transform_1(%arg0: i32, %arg1: i32) -> (i32, i32) {
    %c0_i32 = arith.constant 0 : i32
    %c0_i32_0 = arith.constant 0 : i32
    return %arg0, %c0_i32 : i32, i32
  }
  func.func @transform_2(%arg0: i32, %arg1: i32) -> (i32, i32) {
    %c0_i32 = arith.constant 0 : i32
    return %arg1, %arg0 : i32, i32
  }
  func.func @transform_3(%arg0: i32, %arg1: i32) -> (i32, i32, i32) {
    %c0_i32 = arith.constant 0 : i32
    %c0_i32_0 = arith.constant 0 : i32
    return %arg0, %arg1, %c0_i32 : i32, i32, i32
  }
}

module attributes {stable_mosaic.version = 14 : i64} {
  func.func @_group_select_body(%arg0: i32, %arg1: memref<1024x784xf32, #tpu.memory_space<vmem>>, %arg2: memref<1024x16xi32, #tpu.memory_space<vmem>>) attributes {dimension_semantics = [#tpu.dimension_semantics<arbitrary>], iteration_bounds = array<i64: 4>, scalar_prefetch = 0 : i64, scratch_operands = 0 : i64, tpu.core_type = #tpu.core_type<tc>, window_params = [{transform_indices = @transform_0, window_bounds = array<i64: 1024, 784>}, {transform_indices = @transform_1, window_bounds = array<i64: 1024, 16>}]} {
    %iota3A = tpu.iota {dimensions = array<i32: 1>} : vector<1024x784xi32>
    %get3A = arith.constant 0 : index
    %get3A_0 = arith.constant 0 : index
    %get3A_1 = vector.load %arg1[%get3A, %get3A_0] : memref<1024x784xf32, #tpu.memory_space<vmem>>, vector<1024x784xf32>
    %reduce_max3A = arith.constant dense<0xFF800000> : vector<1024xf32>
    %reduce_max3A_2 = vector.multi_reduction <maximumf>, %get3A_1, %reduce_max3A [1] : vector<1024x784xf32> to vector<1024xf32>
    %broadcast_in_dim3A = vector.shape_cast %reduce_max3A_2 : vector<1024xf32> to vector<1024x1xf32>
    %eq3A = vector.broadcast %broadcast_in_dim3A : vector<1024x1xf32> to vector<1024x784xf32>
    %eq3A_3 = arith.cmpf oeq, %get3A_1, %eq3A : vector<1024x784xf32>
    %jit3A = arith.constant 2147483647 : i32
    %broadcast_in_dim3A_4 = vector.broadcast %jit3A : i32 to vector<1024x784xi32>
    %select_n3A = arith.select %eq3A_3, %iota3A, %broadcast_in_dim3A_4 : vector<1024x784xi1>, vector<1024x784xi32>
    %reduce_min3A = arith.constant dense<2147483647> : vector<1024xi32>
    %reduce_min3A_5 = vector.multi_reduction <minsi>, %select_n3A, %reduce_min3A [1] : vector<1024x784xi32> to vector<1024xi32>
    %broadcast_in_dim3A_6 = vector.shape_cast %reduce_min3A_5 : vector<1024xi32> to vector<1024x1xi32>
    %eq3A_7 = vector.broadcast %broadcast_in_dim3A_6 : vector<1024x1xi32> to vector<1024x784xi32>
    %eq3A_8 = arith.cmpi eq, %iota3A, %eq3A_7 : vector<1024x784xi32>
    %jit3A_9 = arith.constant 0xFF800000 : f32
    %broadcast_in_dim3A_10 = vector.broadcast %jit3A_9 : f32 to vector<1024x784xf32>
    %select_n3A_11 = arith.select %eq3A_8, %broadcast_in_dim3A_10, %get3A_1 : vector<1024x784xi1>, vector<1024x784xf32>
    %reduce_max3A_12 = arith.constant dense<0xFF800000> : vector<1024xf32>
    %reduce_max3A_13 = vector.multi_reduction <maximumf>, %select_n3A_11, %reduce_max3A_12 [1] : vector<1024x784xf32> to vector<1024xf32>
    %broadcast_in_dim3A_14 = vector.shape_cast %reduce_max3A_13 : vector<1024xf32> to vector<1024x1xf32>
    %eq3A_15 = vector.broadcast %broadcast_in_dim3A_14 : vector<1024x1xf32> to vector<1024x784xf32>
    %eq3A_16 = arith.cmpf oeq, %select_n3A_11, %eq3A_15 : vector<1024x784xf32>
    %jit3A_17 = arith.constant 2147483647 : i32
    %broadcast_in_dim3A_18 = vector.broadcast %jit3A_17 : i32 to vector<1024x784xi32>
    %select_n3A_19 = arith.select %eq3A_16, %iota3A, %broadcast_in_dim3A_18 : vector<1024x784xi1>, vector<1024x784xi32>
    %reduce_min3A_20 = arith.constant dense<2147483647> : vector<1024xi32>
    %reduce_min3A_21 = vector.multi_reduction <minsi>, %select_n3A_19, %reduce_min3A_20 [1] : vector<1024x784xi32> to vector<1024xi32>
    %broadcast_in_dim3A_22 = vector.shape_cast %reduce_min3A_21 : vector<1024xi32> to vector<1024x1xi32>
    %eq3A_23 = vector.broadcast %broadcast_in_dim3A_22 : vector<1024x1xi32> to vector<1024x784xi32>
    %eq3A_24 = arith.cmpi eq, %iota3A, %eq3A_23 : vector<1024x784xi32>
    %jit3A_25 = arith.constant 0xFF800000 : f32
    %broadcast_in_dim3A_26 = vector.broadcast %jit3A_25 : f32 to vector<1024x784xf32>
    %select_n3A_27 = arith.select %eq3A_24, %broadcast_in_dim3A_26, %select_n3A_11 : vector<1024x784xi1>, vector<1024x784xf32>
    %reduce_max3A_28 = arith.constant dense<0xFF800000> : vector<1024xf32>
    %reduce_max3A_29 = vector.multi_reduction <maximumf>, %select_n3A_27, %reduce_max3A_28 [1] : vector<1024x784xf32> to vector<1024xf32>
    %broadcast_in_dim3A_30 = vector.shape_cast %reduce_max3A_29 : vector<1024xf32> to vector<1024x1xf32>
    %eq3A_31 = vector.broadcast %broadcast_in_dim3A_30 : vector<1024x1xf32> to vector<1024x784xf32>
    %eq3A_32 = arith.cmpf oeq, %select_n3A_27, %eq3A_31 : vector<1024x784xf32>
    %jit3A_33 = arith.constant 2147483647 : i32
    %broadcast_in_dim3A_34 = vector.broadcast %jit3A_33 : i32 to vector<1024x784xi32>
    %select_n3A_35 = arith.select %eq3A_32, %iota3A, %broadcast_in_dim3A_34 : vector<1024x784xi1>, vector<1024x784xi32>
    %reduce_min3A_36 = arith.constant dense<2147483647> : vector<1024xi32>
    %reduce_min3A_37 = vector.multi_reduction <minsi>, %select_n3A_35, %reduce_min3A_36 [1] : vector<1024x784xi32> to vector<1024xi32>
    %broadcast_in_dim3A_38 = vector.shape_cast %reduce_min3A_37 : vector<1024xi32> to vector<1024x1xi32>
    %eq3A_39 = vector.broadcast %broadcast_in_dim3A_38 : vector<1024x1xi32> to vector<1024x784xi32>
    %eq3A_40 = arith.cmpi eq, %iota3A, %eq3A_39 : vector<1024x784xi32>
    %jit3A_41 = arith.constant 0xFF800000 : f32
    %broadcast_in_dim3A_42 = vector.broadcast %jit3A_41 : f32 to vector<1024x784xf32>
    %select_n3A_43 = arith.select %eq3A_40, %broadcast_in_dim3A_42, %select_n3A_27 : vector<1024x784xi1>, vector<1024x784xf32>
    %reduce_max3A_44 = arith.constant dense<0xFF800000> : vector<1024xf32>
    %reduce_max3A_45 = vector.multi_reduction <maximumf>, %select_n3A_43, %reduce_max3A_44 [1] : vector<1024x784xf32> to vector<1024xf32>
    %broadcast_in_dim3A_46 = vector.shape_cast %reduce_max3A_45 : vector<1024xf32> to vector<1024x1xf32>
    %eq3A_47 = vector.broadcast %broadcast_in_dim3A_46 : vector<1024x1xf32> to vector<1024x784xf32>
    %eq3A_48 = arith.cmpf oeq, %select_n3A_43, %eq3A_47 : vector<1024x784xf32>
    %jit3A_49 = arith.constant 2147483647 : i32
    %broadcast_in_dim3A_50 = vector.broadcast %jit3A_49 : i32 to vector<1024x784xi32>
    %select_n3A_51 = arith.select %eq3A_48, %iota3A, %broadcast_in_dim3A_50 : vector<1024x784xi1>, vector<1024x784xi32>
    %reduce_min3A_52 = arith.constant dense<2147483647> : vector<1024xi32>
    %reduce_min3A_53 = vector.multi_reduction <minsi>, %select_n3A_51, %reduce_min3A_52 [1] : vector<1024x784xi32> to vector<1024xi32>
    %broadcast_in_dim3A_54 = vector.shape_cast %reduce_min3A_53 : vector<1024xi32> to vector<1024x1xi32>
    %eq3A_55 = vector.broadcast %broadcast_in_dim3A_54 : vector<1024x1xi32> to vector<1024x784xi32>
    %eq3A_56 = arith.cmpi eq, %iota3A, %eq3A_55 : vector<1024x784xi32>
    %jit3A_57 = arith.constant 0xFF800000 : f32
    %broadcast_in_dim3A_58 = vector.broadcast %jit3A_57 : f32 to vector<1024x784xf32>
    %select_n3A_59 = arith.select %eq3A_56, %broadcast_in_dim3A_58, %select_n3A_43 : vector<1024x784xi1>, vector<1024x784xf32>
    %reduce_max3A_60 = arith.constant dense<0xFF800000> : vector<1024xf32>
    %reduce_max3A_61 = vector.multi_reduction <maximumf>, %select_n3A_59, %reduce_max3A_60 [1] : vector<1024x784xf32> to vector<1024xf32>
    %broadcast_in_dim3A_62 = vector.shape_cast %reduce_max3A_61 : vector<1024xf32> to vector<1024x1xf32>
    %eq3A_63 = vector.broadcast %broadcast_in_dim3A_62 : vector<1024x1xf32> to vector<1024x784xf32>
    %eq3A_64 = arith.cmpf oeq, %select_n3A_59, %eq3A_63 : vector<1024x784xf32>
    %jit3A_65 = arith.constant 2147483647 : i32
    %broadcast_in_dim3A_66 = vector.broadcast %jit3A_65 : i32 to vector<1024x784xi32>
    %select_n3A_67 = arith.select %eq3A_64, %iota3A, %broadcast_in_dim3A_66 : vector<1024x784xi1>, vector<1024x784xi32>
    %reduce_min3A_68 = arith.constant dense<2147483647> : vector<1024xi32>
    %reduce_min3A_69 = vector.multi_reduction <minsi>, %select_n3A_67, %reduce_min3A_68 [1] : vector<1024x784xi32> to vector<1024xi32>
    %broadcast_in_dim3A_70 = vector.shape_cast %reduce_min3A_69 : vector<1024xi32> to vector<1024x1xi32>
    %eq3A_71 = vector.broadcast %broadcast_in_dim3A_70 : vector<1024x1xi32> to vector<1024x784xi32>
    %eq3A_72 = arith.cmpi eq, %iota3A, %eq3A_71 : vector<1024x784xi32>
    %jit3A_73 = arith.constant 0xFF800000 : f32
    %broadcast_in_dim3A_74 = vector.broadcast %jit3A_73 : f32 to vector<1024x784xf32>
    %select_n3A_75 = arith.select %eq3A_72, %broadcast_in_dim3A_74, %select_n3A_59 : vector<1024x784xi1>, vector<1024x784xf32>
    %reduce_max3A_76 = arith.constant dense<0xFF800000> : vector<1024xf32>
    %reduce_max3A_77 = vector.multi_reduction <maximumf>, %select_n3A_75, %reduce_max3A_76 [1] : vector<1024x784xf32> to vector<1024xf32>
    %broadcast_in_dim3A_78 = vector.shape_cast %reduce_max3A_77 : vector<1024xf32> to vector<1024x1xf32>
    %eq3A_79 = vector.broadcast %broadcast_in_dim3A_78 : vector<1024x1xf32> to vector<1024x784xf32>
    %eq3A_80 = arith.cmpf oeq, %select_n3A_75, %eq3A_79 : vector<1024x784xf32>
    %jit3A_81 = arith.constant 2147483647 : i32
    %broadcast_in_dim3A_82 = vector.broadcast %jit3A_81 : i32 to vector<1024x784xi32>
    %select_n3A_83 = arith.select %eq3A_80, %iota3A, %broadcast_in_dim3A_82 : vector<1024x784xi1>, vector<1024x784xi32>
    %reduce_min3A_84 = arith.constant dense<2147483647> : vector<1024xi32>
    %reduce_min3A_85 = vector.multi_reduction <minsi>, %select_n3A_83, %reduce_min3A_84 [1] : vector<1024x784xi32> to vector<1024xi32>
    %broadcast_in_dim3A_86 = vector.shape_cast %reduce_min3A_85 : vector<1024xi32> to vector<1024x1xi32>
    %eq3A_87 = vector.broadcast %broadcast_in_dim3A_86 : vector<1024x1xi32> to vector<1024x784xi32>
    %eq3A_88 = arith.cmpi eq, %iota3A, %eq3A_87 : vector<1024x784xi32>
    %jit3A_89 = arith.constant 0xFF800000 : f32
    %broadcast_in_dim3A_90 = vector.broadcast %jit3A_89 : f32 to vector<1024x784xf32>
    %select_n3A_91 = arith.select %eq3A_88, %broadcast_in_dim3A_90, %select_n3A_75 : vector<1024x784xi1>, vector<1024x784xf32>
    %reduce_max3A_92 = arith.constant dense<0xFF800000> : vector<1024xf32>
    %reduce_max3A_93 = vector.multi_reduction <maximumf>, %select_n3A_91, %reduce_max3A_92 [1] : vector<1024x784xf32> to vector<1024xf32>
    %broadcast_in_dim3A_94 = vector.shape_cast %reduce_max3A_93 : vector<1024xf32> to vector<1024x1xf32>
    %eq3A_95 = vector.broadcast %broadcast_in_dim3A_94 : vector<1024x1xf32> to vector<1024x784xf32>
    %eq3A_96 = arith.cmpf oeq, %select_n3A_91, %eq3A_95 : vector<1024x784xf32>
    %jit3A_97 = arith.constant 2147483647 : i32
    %broadcast_in_dim3A_98 = vector.broadcast %jit3A_97 : i32 to vector<1024x784xi32>
    %select_n3A_99 = arith.select %eq3A_96, %iota3A, %broadcast_in_dim3A_98 : vector<1024x784xi1>, vector<1024x784xi32>
    %reduce_min3A_100 = arith.constant dense<2147483647> : vector<1024xi32>
    %reduce_min3A_101 = vector.multi_reduction <minsi>, %select_n3A_99, %reduce_min3A_100 [1] : vector<1024x784xi32> to vector<1024xi32>
    %broadcast_in_dim3A_102 = vector.shape_cast %reduce_min3A_101 : vector<1024xi32> to vector<1024x1xi32>
    %eq3A_103 = vector.broadcast %broadcast_in_dim3A_102 : vector<1024x1xi32> to vector<1024x784xi32>
    %eq3A_104 = arith.cmpi eq, %iota3A, %eq3A_103 : vector<1024x784xi32>
    %jit3A_105 = arith.constant 0xFF800000 : f32
    %broadcast_in_dim3A_106 = vector.broadcast %jit3A_105 : f32 to vector<1024x784xf32>
    %select_n3A_107 = arith.select %eq3A_104, %broadcast_in_dim3A_106, %select_n3A_91 : vector<1024x784xi1>, vector<1024x784xf32>
    %reduce_max3A_108 = arith.constant dense<0xFF800000> : vector<1024xf32>
    %reduce_max3A_109 = vector.multi_reduction <maximumf>, %select_n3A_107, %reduce_max3A_108 [1] : vector<1024x784xf32> to vector<1024xf32>
    %broadcast_in_dim3A_110 = vector.shape_cast %reduce_max3A_109 : vector<1024xf32> to vector<1024x1xf32>
    %eq3A_111 = vector.broadcast %broadcast_in_dim3A_110 : vector<1024x1xf32> to vector<1024x784xf32>
    %eq3A_112 = arith.cmpf oeq, %select_n3A_107, %eq3A_111 : vector<1024x784xf32>
    %jit3A_113 = arith.constant 2147483647 : i32
    %broadcast_in_dim3A_114 = vector.broadcast %jit3A_113 : i32 to vector<1024x784xi32>
    %select_n3A_115 = arith.select %eq3A_112, %iota3A, %broadcast_in_dim3A_114 : vector<1024x784xi1>, vector<1024x784xi32>
    %reduce_min3A_116 = arith.constant dense<2147483647> : vector<1024xi32>
    %reduce_min3A_117 = vector.multi_reduction <minsi>, %select_n3A_115, %reduce_min3A_116 [1] : vector<1024x784xi32> to vector<1024xi32>
    %broadcast_in_dim3A_118 = vector.shape_cast %reduce_min3A_117 : vector<1024xi32> to vector<1024x1xi32>
    %eq3A_119 = vector.broadcast %broadcast_in_dim3A_118 : vector<1024x1xi32> to vector<1024x784xi32>
    %eq3A_120 = arith.cmpi eq, %iota3A, %eq3A_119 : vector<1024x784xi32>
    %jit3A_121 = arith.constant 0xFF800000 : f32
    %broadcast_in_dim3A_122 = vector.broadcast %jit3A_121 : f32 to vector<1024x784xf32>
    %select_n3A_123 = arith.select %eq3A_120, %broadcast_in_dim3A_122, %select_n3A_107 : vector<1024x784xi1>, vector<1024x784xf32>
    %reduce_max3A_124 = arith.constant dense<0xFF800000> : vector<1024xf32>
    %reduce_max3A_125 = vector.multi_reduction <maximumf>, %select_n3A_123, %reduce_max3A_124 [1] : vector<1024x784xf32> to vector<1024xf32>
    %broadcast_in_dim3A_126 = vector.shape_cast %reduce_max3A_125 : vector<1024xf32> to vector<1024x1xf32>
    %eq3A_127 = vector.broadcast %broadcast_in_dim3A_126 : vector<1024x1xf32> to vector<1024x784xf32>
    %eq3A_128 = arith.cmpf oeq, %select_n3A_123, %eq3A_127 : vector<1024x784xf32>
    %jit3A_129 = arith.constant 2147483647 : i32
    %broadcast_in_dim3A_130 = vector.broadcast %jit3A_129 : i32 to vector<1024x784xi32>
    %select_n3A_131 = arith.select %eq3A_128, %iota3A, %broadcast_in_dim3A_130 : vector<1024x784xi1>, vector<1024x784xi32>
    %reduce_min3A_132 = arith.constant dense<2147483647> : vector<1024xi32>
    %reduce_min3A_133 = vector.multi_reduction <minsi>, %select_n3A_131, %reduce_min3A_132 [1] : vector<1024x784xi32> to vector<1024xi32>
    %broadcast_in_dim3A_134 = vector.shape_cast %reduce_min3A_133 : vector<1024xi32> to vector<1024x1xi32>
    %eq3A_135 = vector.broadcast %broadcast_in_dim3A_134 : vector<1024x1xi32> to vector<1024x784xi32>
    %eq3A_136 = arith.cmpi eq, %iota3A, %eq3A_135 : vector<1024x784xi32>
    %jit3A_137 = arith.constant 0xFF800000 : f32
    %broadcast_in_dim3A_138 = vector.broadcast %jit3A_137 : f32 to vector<1024x784xf32>
    %select_n3A_139 = arith.select %eq3A_136, %broadcast_in_dim3A_138, %select_n3A_123 : vector<1024x784xi1>, vector<1024x784xf32>
    %reduce_max3A_140 = arith.constant dense<0xFF800000> : vector<1024xf32>
    %reduce_max3A_141 = vector.multi_reduction <maximumf>, %select_n3A_139, %reduce_max3A_140 [1] : vector<1024x784xf32> to vector<1024xf32>
    %broadcast_in_dim3A_142 = vector.shape_cast %reduce_max3A_141 : vector<1024xf32> to vector<1024x1xf32>
    %eq3A_143 = vector.broadcast %broadcast_in_dim3A_142 : vector<1024x1xf32> to vector<1024x784xf32>
    %eq3A_144 = arith.cmpf oeq, %select_n3A_139, %eq3A_143 : vector<1024x784xf32>
    %jit3A_145 = arith.constant 2147483647 : i32
    %broadcast_in_dim3A_146 = vector.broadcast %jit3A_145 : i32 to vector<1024x784xi32>
    %select_n3A_147 = arith.select %eq3A_144, %iota3A, %broadcast_in_dim3A_146 : vector<1024x784xi1>, vector<1024x784xi32>
    %reduce_min3A_148 = arith.constant dense<2147483647> : vector<1024xi32>
    %reduce_min3A_149 = vector.multi_reduction <minsi>, %select_n3A_147, %reduce_min3A_148 [1] : vector<1024x784xi32> to vector<1024xi32>
    %broadcast_in_dim3A_150 = vector.shape_cast %reduce_min3A_149 : vector<1024xi32> to vector<1024x1xi32>
    %eq3A_151 = vector.broadcast %broadcast_in_dim3A_150 : vector<1024x1xi32> to vector<1024x784xi32>
    %eq3A_152 = arith.cmpi eq, %iota3A, %eq3A_151 : vector<1024x784xi32>
    %jit3A_153 = arith.constant 0xFF800000 : f32
    %broadcast_in_dim3A_154 = vector.broadcast %jit3A_153 : f32 to vector<1024x784xf32>
    %select_n3A_155 = arith.select %eq3A_152, %broadcast_in_dim3A_154, %select_n3A_139 : vector<1024x784xi1>, vector<1024x784xf32>
    %reduce_max3A_156 = arith.constant dense<0xFF800000> : vector<1024xf32>
    %reduce_max3A_157 = vector.multi_reduction <maximumf>, %select_n3A_155, %reduce_max3A_156 [1] : vector<1024x784xf32> to vector<1024xf32>
    %broadcast_in_dim3A_158 = vector.shape_cast %reduce_max3A_157 : vector<1024xf32> to vector<1024x1xf32>
    %eq3A_159 = vector.broadcast %broadcast_in_dim3A_158 : vector<1024x1xf32> to vector<1024x784xf32>
    %eq3A_160 = arith.cmpf oeq, %select_n3A_155, %eq3A_159 : vector<1024x784xf32>
    %jit3A_161 = arith.constant 2147483647 : i32
    %broadcast_in_dim3A_162 = vector.broadcast %jit3A_161 : i32 to vector<1024x784xi32>
    %select_n3A_163 = arith.select %eq3A_160, %iota3A, %broadcast_in_dim3A_162 : vector<1024x784xi1>, vector<1024x784xi32>
    %reduce_min3A_164 = arith.constant dense<2147483647> : vector<1024xi32>
    %reduce_min3A_165 = vector.multi_reduction <minsi>, %select_n3A_163, %reduce_min3A_164 [1] : vector<1024x784xi32> to vector<1024xi32>
    %broadcast_in_dim3A_166 = vector.shape_cast %reduce_min3A_165 : vector<1024xi32> to vector<1024x1xi32>
    %eq3A_167 = vector.broadcast %broadcast_in_dim3A_166 : vector<1024x1xi32> to vector<1024x784xi32>
    %eq3A_168 = arith.cmpi eq, %iota3A, %eq3A_167 : vector<1024x784xi32>
    %jit3A_169 = arith.constant 0xFF800000 : f32
    %broadcast_in_dim3A_170 = vector.broadcast %jit3A_169 : f32 to vector<1024x784xf32>
    %select_n3A_171 = arith.select %eq3A_168, %broadcast_in_dim3A_170, %select_n3A_155 : vector<1024x784xi1>, vector<1024x784xf32>
    %reduce_max3A_172 = arith.constant dense<0xFF800000> : vector<1024xf32>
    %reduce_max3A_173 = vector.multi_reduction <maximumf>, %select_n3A_171, %reduce_max3A_172 [1] : vector<1024x784xf32> to vector<1024xf32>
    %broadcast_in_dim3A_174 = vector.shape_cast %reduce_max3A_173 : vector<1024xf32> to vector<1024x1xf32>
    %eq3A_175 = vector.broadcast %broadcast_in_dim3A_174 : vector<1024x1xf32> to vector<1024x784xf32>
    %eq3A_176 = arith.cmpf oeq, %select_n3A_171, %eq3A_175 : vector<1024x784xf32>
    %jit3A_177 = arith.constant 2147483647 : i32
    %broadcast_in_dim3A_178 = vector.broadcast %jit3A_177 : i32 to vector<1024x784xi32>
    %select_n3A_179 = arith.select %eq3A_176, %iota3A, %broadcast_in_dim3A_178 : vector<1024x784xi1>, vector<1024x784xi32>
    %reduce_min3A_180 = arith.constant dense<2147483647> : vector<1024xi32>
    %reduce_min3A_181 = vector.multi_reduction <minsi>, %select_n3A_179, %reduce_min3A_180 [1] : vector<1024x784xi32> to vector<1024xi32>
    %broadcast_in_dim3A_182 = vector.shape_cast %reduce_min3A_181 : vector<1024xi32> to vector<1024x1xi32>
    %eq3A_183 = vector.broadcast %broadcast_in_dim3A_182 : vector<1024x1xi32> to vector<1024x784xi32>
    %eq3A_184 = arith.cmpi eq, %iota3A, %eq3A_183 : vector<1024x784xi32>
    %jit3A_185 = arith.constant 0xFF800000 : f32
    %broadcast_in_dim3A_186 = vector.broadcast %jit3A_185 : f32 to vector<1024x784xf32>
    %select_n3A_187 = arith.select %eq3A_184, %broadcast_in_dim3A_186, %select_n3A_171 : vector<1024x784xi1>, vector<1024x784xf32>
    %reduce_max3A_188 = arith.constant dense<0xFF800000> : vector<1024xf32>
    %reduce_max3A_189 = vector.multi_reduction <maximumf>, %select_n3A_187, %reduce_max3A_188 [1] : vector<1024x784xf32> to vector<1024xf32>
    %broadcast_in_dim3A_190 = vector.shape_cast %reduce_max3A_189 : vector<1024xf32> to vector<1024x1xf32>
    %eq3A_191 = vector.broadcast %broadcast_in_dim3A_190 : vector<1024x1xf32> to vector<1024x784xf32>
    %eq3A_192 = arith.cmpf oeq, %select_n3A_187, %eq3A_191 : vector<1024x784xf32>
    %jit3A_193 = arith.constant 2147483647 : i32
    %broadcast_in_dim3A_194 = vector.broadcast %jit3A_193 : i32 to vector<1024x784xi32>
    %select_n3A_195 = arith.select %eq3A_192, %iota3A, %broadcast_in_dim3A_194 : vector<1024x784xi1>, vector<1024x784xi32>
    %reduce_min3A_196 = arith.constant dense<2147483647> : vector<1024xi32>
    %reduce_min3A_197 = vector.multi_reduction <minsi>, %select_n3A_195, %reduce_min3A_196 [1] : vector<1024x784xi32> to vector<1024xi32>
    %broadcast_in_dim3A_198 = vector.shape_cast %reduce_min3A_197 : vector<1024xi32> to vector<1024x1xi32>
    %eq3A_199 = vector.broadcast %broadcast_in_dim3A_198 : vector<1024x1xi32> to vector<1024x784xi32>
    %eq3A_200 = arith.cmpi eq, %iota3A, %eq3A_199 : vector<1024x784xi32>
    %jit3A_201 = arith.constant 0xFF800000 : f32
    %broadcast_in_dim3A_202 = vector.broadcast %jit3A_201 : f32 to vector<1024x784xf32>
    %select_n3A_203 = arith.select %eq3A_200, %broadcast_in_dim3A_202, %select_n3A_187 : vector<1024x784xi1>, vector<1024x784xf32>
    %reduce_max3A_204 = arith.constant dense<0xFF800000> : vector<1024xf32>
    %reduce_max3A_205 = vector.multi_reduction <maximumf>, %select_n3A_203, %reduce_max3A_204 [1] : vector<1024x784xf32> to vector<1024xf32>
    %broadcast_in_dim3A_206 = vector.shape_cast %reduce_max3A_205 : vector<1024xf32> to vector<1024x1xf32>
    %eq3A_207 = vector.broadcast %broadcast_in_dim3A_206 : vector<1024x1xf32> to vector<1024x784xf32>
    %eq3A_208 = arith.cmpf oeq, %select_n3A_203, %eq3A_207 : vector<1024x784xf32>
    %jit3A_209 = arith.constant 2147483647 : i32
    %broadcast_in_dim3A_210 = vector.broadcast %jit3A_209 : i32 to vector<1024x784xi32>
    %select_n3A_211 = arith.select %eq3A_208, %iota3A, %broadcast_in_dim3A_210 : vector<1024x784xi1>, vector<1024x784xi32>
    %reduce_min3A_212 = arith.constant dense<2147483647> : vector<1024xi32>
    %reduce_min3A_213 = vector.multi_reduction <minsi>, %select_n3A_211, %reduce_min3A_212 [1] : vector<1024x784xi32> to vector<1024xi32>
    %broadcast_in_dim3A_214 = vector.shape_cast %reduce_min3A_213 : vector<1024xi32> to vector<1024x1xi32>
    %eq3A_215 = vector.broadcast %broadcast_in_dim3A_214 : vector<1024x1xi32> to vector<1024x784xi32>
    %eq3A_216 = arith.cmpi eq, %iota3A, %eq3A_215 : vector<1024x784xi32>
    %jit3A_217 = arith.constant 0xFF800000 : f32
    %broadcast_in_dim3A_218 = vector.broadcast %jit3A_217 : f32 to vector<1024x784xf32>
    %select_n3A_219 = arith.select %eq3A_216, %broadcast_in_dim3A_218, %select_n3A_203 : vector<1024x784xi1>, vector<1024x784xf32>
    %reduce_max3A_220 = arith.constant dense<0xFF800000> : vector<1024xf32>
    %reduce_max3A_221 = vector.multi_reduction <maximumf>, %select_n3A_219, %reduce_max3A_220 [1] : vector<1024x784xf32> to vector<1024xf32>
    %broadcast_in_dim3A_222 = vector.shape_cast %reduce_max3A_221 : vector<1024xf32> to vector<1024x1xf32>
    %eq3A_223 = vector.broadcast %broadcast_in_dim3A_222 : vector<1024x1xf32> to vector<1024x784xf32>
    %eq3A_224 = arith.cmpf oeq, %select_n3A_219, %eq3A_223 : vector<1024x784xf32>
    %jit3A_225 = arith.constant 2147483647 : i32
    %broadcast_in_dim3A_226 = vector.broadcast %jit3A_225 : i32 to vector<1024x784xi32>
    %select_n3A_227 = arith.select %eq3A_224, %iota3A, %broadcast_in_dim3A_226 : vector<1024x784xi1>, vector<1024x784xi32>
    %reduce_min3A_228 = arith.constant dense<2147483647> : vector<1024xi32>
    %reduce_min3A_229 = vector.multi_reduction <minsi>, %select_n3A_227, %reduce_min3A_228 [1] : vector<1024x784xi32> to vector<1024xi32>
    %broadcast_in_dim3A_230 = vector.shape_cast %reduce_min3A_229 : vector<1024xi32> to vector<1024x1xi32>
    %eq3A_231 = vector.broadcast %broadcast_in_dim3A_230 : vector<1024x1xi32> to vector<1024x784xi32>
    %eq3A_232 = arith.cmpi eq, %iota3A, %eq3A_231 : vector<1024x784xi32>
    %jit3A_233 = arith.constant 0xFF800000 : f32
    %broadcast_in_dim3A_234 = vector.broadcast %jit3A_233 : f32 to vector<1024x784xf32>
    %select_n3A_235 = arith.select %eq3A_232, %broadcast_in_dim3A_234, %select_n3A_219 : vector<1024x784xi1>, vector<1024x784xf32>
    %reduce_max3A_236 = arith.constant dense<0xFF800000> : vector<1024xf32>
    %reduce_max3A_237 = vector.multi_reduction <maximumf>, %select_n3A_235, %reduce_max3A_236 [1] : vector<1024x784xf32> to vector<1024xf32>
    %broadcast_in_dim3A_238 = vector.shape_cast %reduce_max3A_237 : vector<1024xf32> to vector<1024x1xf32>
    %eq3A_239 = vector.broadcast %broadcast_in_dim3A_238 : vector<1024x1xf32> to vector<1024x784xf32>
    %eq3A_240 = arith.cmpf oeq, %select_n3A_235, %eq3A_239 : vector<1024x784xf32>
    %jit3A_241 = arith.constant 2147483647 : i32
    %broadcast_in_dim3A_242 = vector.broadcast %jit3A_241 : i32 to vector<1024x784xi32>
    %select_n3A_243 = arith.select %eq3A_240, %iota3A, %broadcast_in_dim3A_242 : vector<1024x784xi1>, vector<1024x784xi32>
    %reduce_min3A_244 = arith.constant dense<2147483647> : vector<1024xi32>
    %reduce_min3A_245 = vector.multi_reduction <minsi>, %select_n3A_243, %reduce_min3A_244 [1] : vector<1024x784xi32> to vector<1024xi32>
    %broadcast_in_dim3A_246 = vector.shape_cast %reduce_min3A_245 : vector<1024xi32> to vector<1024x1xi32>
    %concatenate3A = tpu.concatenate %broadcast_in_dim3A_6, %broadcast_in_dim3A_22, %broadcast_in_dim3A_38, %broadcast_in_dim3A_54, %broadcast_in_dim3A_70, %broadcast_in_dim3A_86, %broadcast_in_dim3A_102, %broadcast_in_dim3A_118, %broadcast_in_dim3A_134, %broadcast_in_dim3A_150, %broadcast_in_dim3A_166, %broadcast_in_dim3A_182, %broadcast_in_dim3A_198, %broadcast_in_dim3A_214, %broadcast_in_dim3A_230, %broadcast_in_dim3A_246 in 1 : vector<1024x1xi32>, vector<1024x1xi32>, vector<1024x1xi32>, vector<1024x1xi32>, vector<1024x1xi32>, vector<1024x1xi32>, vector<1024x1xi32>, vector<1024x1xi32>, vector<1024x1xi32>, vector<1024x1xi32>, vector<1024x1xi32>, vector<1024x1xi32>, vector<1024x1xi32>, vector<1024x1xi32>, vector<1024x1xi32>, vector<1024x1xi32> -> vector<1024x16xi32>
    %mul3A = arith.constant 1024 : i32
    %mul3A_247 = arith.muli %arg0, %mul3A : i32
    %iota3A_248 = tpu.iota {dimensions = array<i32: 0>} : vector<1024x16xi32>
    %add3A = vector.broadcast %mul3A_247 : i32 to vector<1024x16xi32>
    %add3A_249 = arith.addi %add3A, %iota3A_248 : vector<1024x16xi32>
    %mul3A_250 = arith.constant 784 : i32
    %mul3A_251 = vector.broadcast %mul3A_250 : i32 to vector<1024x16xi32>
    %mul3A_252 = arith.muli %add3A_249, %mul3A_251 : vector<1024x16xi32>
    %add3A_253 = arith.addi %mul3A_252, %concatenate3A : vector<1024x16xi32>
    %swap3A = arith.constant 0 : index
    %swap3A_254 = arith.constant 0 : index
    %swap3A_255 = vector.load %arg2[%swap3A, %swap3A_254] : memref<1024x16xi32, #tpu.memory_space<vmem>>, vector<1024x16xi32>
    tpu.vector_store %arg2[%swap3A, %swap3A_254], %add3A_253 {strides = array<i32>} : memref<1024x16xi32, #tpu.memory_space<vmem>>, vector<1024x16xi32>,
    return
  }
  func.func @transform_0(%arg0: i32) -> (i32, i32) {
    %c0_i32 = arith.constant 0 : i32
    %c0_i32_0 = arith.constant 0 : i32
    return %arg0, %c0_i32 : i32, i32
  }
  func.func @transform_1(%arg0: i32) -> (i32, i32) {
    %c0_i32 = arith.constant 0 : i32
    %c0_i32_0 = arith.constant 0 : i32
    return %arg0, %c0_i32 : i32, i32
  }
}

module attributes {stable_mosaic.version = 14 : i64} {
  func.func @_final_select_body(%arg0: i32, %arg1: memref<512x2048xf32, #tpu.memory_space<vmem>>, %arg2: memref<512x16xi32, #tpu.memory_space<vmem>>, %arg3: memref<512x16xf32, #tpu.memory_space<vmem>>, %arg4: memref<512x16xi32, #tpu.memory_space<vmem>>) attributes {dimension_semantics = [#tpu.dimension_semantics<arbitrary>], iteration_bounds = array<i64: 8>, scalar_prefetch = 0 : i64, scratch_operands = 0 : i64, tpu.core_type = #tpu.core_type<tc>, window_params = [{transform_indices = @transform_0, window_bounds = array<i64: 512, 2048>}, {transform_indices = @transform_1, window_bounds = array<i64: 512, 16>}, {transform_indices = @transform_2, window_bounds = array<i64: 512, 16>}, {transform_indices = @transform_3, window_bounds = array<i64: 512, 16>}]} {
    %mul3A = arith.constant 512 : i32
    %mul3A_0 = arith.muli %arg0, %mul3A : i32
    %iota3A = tpu.iota {dimensions = array<i32: 0>} : vector<512x1xi32>
    %add3A = vector.broadcast %mul3A_0 : i32 to vector<512x1xi32>
    %add3A_1 = arith.addi %add3A, %iota3A : vector<512x1xi32>
    %iota3A_2 = tpu.iota {dimensions = array<i32: 1>} : vector<512x128xi32>
    %get3A = arith.constant 0 : index
    %get3A_3 = arith.constant 0 : index
    %get3A_4 = vector.load %arg2[%get3A, %get3A_3] : memref<512x16xi32, #tpu.memory_space<vmem>>, vector<512x16xi32>
    %slice3A = vector.extract_strided_slice %get3A_4 {offsets = [0, 0], sizes = [512, 1], strides = [1, 1]} : vector<512x16xi32> to vector<512x1xi32>
    %mul3A_5 = arith.constant 784 : i32
    %mul3A_6 = vector.broadcast %mul3A_5 : i32 to vector<512x1xi32>
    %mul3A_7 = arith.muli %add3A_1, %mul3A_6 : vector<512x1xi32>
    %sub3A = arith.subi %slice3A, %mul3A_7 : vector<512x1xi32>
    %mul3A_8 = arith.constant 128 : i32
    %mul3A_9 = vector.broadcast %mul3A_8 : i32 to vector<512x1xi32>
    %mul3A_10 = arith.muli %sub3A, %mul3A_9 : vector<512x1xi32>
    %add3A_11 = vector.broadcast %mul3A_10 : vector<512x1xi32> to vector<512x128xi32>
    %add3A_12 = arith.addi %add3A_11, %iota3A_2 : vector<512x128xi32>
    %get3A_13 = arith.constant 0 : index
    %get3A_14 = arith.constant 0 : index
    %get3A_15 = vector.load %arg2[%get3A_13, %get3A_14] : memref<512x16xi32, #tpu.memory_space<vmem>>, vector<512x16xi32>
    %slice3A_16 = vector.extract_strided_slice %get3A_15 {offsets = [0, 1], sizes = [512, 1], strides = [1, 1]} : vector<512x16xi32> to vector<512x1xi32>
    %mul3A_17 = arith.constant 784 : i32
    %mul3A_18 = vector.broadcast %mul3A_17 : i32 to vector<512x1xi32>
    %mul3A_19 = arith.muli %add3A_1, %mul3A_18 : vector<512x1xi32>
    %sub3A_20 = arith.subi %slice3A_16, %mul3A_19 : vector<512x1xi32>
    %mul3A_21 = arith.constant 128 : i32
    %mul3A_22 = vector.broadcast %mul3A_21 : i32 to vector<512x1xi32>
    %mul3A_23 = arith.muli %sub3A_20, %mul3A_22 : vector<512x1xi32>
    %add3A_24 = vector.broadcast %mul3A_23 : vector<512x1xi32> to vector<512x128xi32>
    %add3A_25 = arith.addi %add3A_24, %iota3A_2 : vector<512x128xi32>
    %get3A_26 = arith.constant 0 : index
    %get3A_27 = arith.constant 0 : index
    %get3A_28 = vector.load %arg2[%get3A_26, %get3A_27] : memref<512x16xi32, #tpu.memory_space<vmem>>, vector<512x16xi32>
    %slice3A_29 = vector.extract_strided_slice %get3A_28 {offsets = [0, 2], sizes = [512, 1], strides = [1, 1]} : vector<512x16xi32> to vector<512x1xi32>
    %mul3A_30 = arith.constant 784 : i32
    %mul3A_31 = vector.broadcast %mul3A_30 : i32 to vector<512x1xi32>
    %mul3A_32 = arith.muli %add3A_1, %mul3A_31 : vector<512x1xi32>
    %sub3A_33 = arith.subi %slice3A_29, %mul3A_32 : vector<512x1xi32>
    %mul3A_34 = arith.constant 128 : i32
    %mul3A_35 = vector.broadcast %mul3A_34 : i32 to vector<512x1xi32>
    %mul3A_36 = arith.muli %sub3A_33, %mul3A_35 : vector<512x1xi32>
    %add3A_37 = vector.broadcast %mul3A_36 : vector<512x1xi32> to vector<512x128xi32>
    %add3A_38 = arith.addi %add3A_37, %iota3A_2 : vector<512x128xi32>
    %get3A_39 = arith.constant 0 : index
    %get3A_40 = arith.constant 0 : index
    %get3A_41 = vector.load %arg2[%get3A_39, %get3A_40] : memref<512x16xi32, #tpu.memory_space<vmem>>, vector<512x16xi32>
    %slice3A_42 = vector.extract_strided_slice %get3A_41 {offsets = [0, 3], sizes = [512, 1], strides = [1, 1]} : vector<512x16xi32> to vector<512x1xi32>
    %mul3A_43 = arith.constant 784 : i32
    %mul3A_44 = vector.broadcast %mul3A_43 : i32 to vector<512x1xi32>
    %mul3A_45 = arith.muli %add3A_1, %mul3A_44 : vector<512x1xi32>
    %sub3A_46 = arith.subi %slice3A_42, %mul3A_45 : vector<512x1xi32>
    %mul3A_47 = arith.constant 128 : i32
    %mul3A_48 = vector.broadcast %mul3A_47 : i32 to vector<512x1xi32>
    %mul3A_49 = arith.muli %sub3A_46, %mul3A_48 : vector<512x1xi32>
    %add3A_50 = vector.broadcast %mul3A_49 : vector<512x1xi32> to vector<512x128xi32>
    %add3A_51 = arith.addi %add3A_50, %iota3A_2 : vector<512x128xi32>
    %get3A_52 = arith.constant 0 : index
    %get3A_53 = arith.constant 0 : index
    %get3A_54 = vector.load %arg2[%get3A_52, %get3A_53] : memref<512x16xi32, #tpu.memory_space<vmem>>, vector<512x16xi32>
    %slice3A_55 = vector.extract_strided_slice %get3A_54 {offsets = [0, 4], sizes = [512, 1], strides = [1, 1]} : vector<512x16xi32> to vector<512x1xi32>
    %mul3A_56 = arith.constant 784 : i32
    %mul3A_57 = vector.broadcast %mul3A_56 : i32 to vector<512x1xi32>
    %mul3A_58 = arith.muli %add3A_1, %mul3A_57 : vector<512x1xi32>
    %sub3A_59 = arith.subi %slice3A_55, %mul3A_58 : vector<512x1xi32>
    %mul3A_60 = arith.constant 128 : i32
    %mul3A_61 = vector.broadcast %mul3A_60 : i32 to vector<512x1xi32>
    %mul3A_62 = arith.muli %sub3A_59, %mul3A_61 : vector<512x1xi32>
    %add3A_63 = vector.broadcast %mul3A_62 : vector<512x1xi32> to vector<512x128xi32>
    %add3A_64 = arith.addi %add3A_63, %iota3A_2 : vector<512x128xi32>
    %get3A_65 = arith.constant 0 : index
    %get3A_66 = arith.constant 0 : index
    %get3A_67 = vector.load %arg2[%get3A_65, %get3A_66] : memref<512x16xi32, #tpu.memory_space<vmem>>, vector<512x16xi32>
    %slice3A_68 = vector.extract_strided_slice %get3A_67 {offsets = [0, 5], sizes = [512, 1], strides = [1, 1]} : vector<512x16xi32> to vector<512x1xi32>
    %mul3A_69 = arith.constant 784 : i32
    %mul3A_70 = vector.broadcast %mul3A_69 : i32 to vector<512x1xi32>
    %mul3A_71 = arith.muli %add3A_1, %mul3A_70 : vector<512x1xi32>
    %sub3A_72 = arith.subi %slice3A_68, %mul3A_71 : vector<512x1xi32>
    %mul3A_73 = arith.constant 128 : i32
    %mul3A_74 = vector.broadcast %mul3A_73 : i32 to vector<512x1xi32>
    %mul3A_75 = arith.muli %sub3A_72, %mul3A_74 : vector<512x1xi32>
    %add3A_76 = vector.broadcast %mul3A_75 : vector<512x1xi32> to vector<512x128xi32>
    %add3A_77 = arith.addi %add3A_76, %iota3A_2 : vector<512x128xi32>
    %get3A_78 = arith.constant 0 : index
    %get3A_79 = arith.constant 0 : index
    %get3A_80 = vector.load %arg2[%get3A_78, %get3A_79] : memref<512x16xi32, #tpu.memory_space<vmem>>, vector<512x16xi32>
    %slice3A_81 = vector.extract_strided_slice %get3A_80 {offsets = [0, 6], sizes = [512, 1], strides = [1, 1]} : vector<512x16xi32> to vector<512x1xi32>
    %mul3A_82 = arith.constant 784 : i32
    %mul3A_83 = vector.broadcast %mul3A_82 : i32 to vector<512x1xi32>
    %mul3A_84 = arith.muli %add3A_1, %mul3A_83 : vector<512x1xi32>
    %sub3A_85 = arith.subi %slice3A_81, %mul3A_84 : vector<512x1xi32>
    %mul3A_86 = arith.constant 128 : i32
    %mul3A_87 = vector.broadcast %mul3A_86 : i32 to vector<512x1xi32>
    %mul3A_88 = arith.muli %sub3A_85, %mul3A_87 : vector<512x1xi32>
    %add3A_89 = vector.broadcast %mul3A_88 : vector<512x1xi32> to vector<512x128xi32>
    %add3A_90 = arith.addi %add3A_89, %iota3A_2 : vector<512x128xi32>
    %get3A_91 = arith.constant 0 : index
    %get3A_92 = arith.constant 0 : index
    %get3A_93 = vector.load %arg2[%get3A_91, %get3A_92] : memref<512x16xi32, #tpu.memory_space<vmem>>, vector<512x16xi32>
    %slice3A_94 = vector.extract_strided_slice %get3A_93 {offsets = [0, 7], sizes = [512, 1], strides = [1, 1]} : vector<512x16xi32> to vector<512x1xi32>
    %mul3A_95 = arith.constant 784 : i32
    %mul3A_96 = vector.broadcast %mul3A_95 : i32 to vector<512x1xi32>
    %mul3A_97 = arith.muli %add3A_1, %mul3A_96 : vector<512x1xi32>
    %sub3A_98 = arith.subi %slice3A_94, %mul3A_97 : vector<512x1xi32>
    %mul3A_99 = arith.constant 128 : i32
    %mul3A_100 = vector.broadcast %mul3A_99 : i32 to vector<512x1xi32>
    %mul3A_101 = arith.muli %sub3A_98, %mul3A_100 : vector<512x1xi32>
    %add3A_102 = vector.broadcast %mul3A_101 : vector<512x1xi32> to vector<512x128xi32>
    %add3A_103 = arith.addi %add3A_102, %iota3A_2 : vector<512x128xi32>
    %get3A_104 = arith.constant 0 : index
    %get3A_105 = arith.constant 0 : index
    %get3A_106 = vector.load %arg2[%get3A_104, %get3A_105] : memref<512x16xi32, #tpu.memory_space<vmem>>, vector<512x16xi32>
    %slice3A_107 = vector.extract_strided_slice %get3A_106 {offsets = [0, 8], sizes = [512, 1], strides = [1, 1]} : vector<512x16xi32> to vector<512x1xi32>
    %mul3A_108 = arith.constant 784 : i32
    %mul3A_109 = vector.broadcast %mul3A_108 : i32 to vector<512x1xi32>
    %mul3A_110 = arith.muli %add3A_1, %mul3A_109 : vector<512x1xi32>
    %sub3A_111 = arith.subi %slice3A_107, %mul3A_110 : vector<512x1xi32>
    %mul3A_112 = arith.constant 128 : i32
    %mul3A_113 = vector.broadcast %mul3A_112 : i32 to vector<512x1xi32>
    %mul3A_114 = arith.muli %sub3A_111, %mul3A_113 : vector<512x1xi32>
    %add3A_115 = vector.broadcast %mul3A_114 : vector<512x1xi32> to vector<512x128xi32>
    %add3A_116 = arith.addi %add3A_115, %iota3A_2 : vector<512x128xi32>
    %get3A_117 = arith.constant 0 : index
    %get3A_118 = arith.constant 0 : index
    %get3A_119 = vector.load %arg2[%get3A_117, %get3A_118] : memref<512x16xi32, #tpu.memory_space<vmem>>, vector<512x16xi32>
    %slice3A_120 = vector.extract_strided_slice %get3A_119 {offsets = [0, 9], sizes = [512, 1], strides = [1, 1]} : vector<512x16xi32> to vector<512x1xi32>
    %mul3A_121 = arith.constant 784 : i32
    %mul3A_122 = vector.broadcast %mul3A_121 : i32 to vector<512x1xi32>
    %mul3A_123 = arith.muli %add3A_1, %mul3A_122 : vector<512x1xi32>
    %sub3A_124 = arith.subi %slice3A_120, %mul3A_123 : vector<512x1xi32>
    %mul3A_125 = arith.constant 128 : i32
    %mul3A_126 = vector.broadcast %mul3A_125 : i32 to vector<512x1xi32>
    %mul3A_127 = arith.muli %sub3A_124, %mul3A_126 : vector<512x1xi32>
    %add3A_128 = vector.broadcast %mul3A_127 : vector<512x1xi32> to vector<512x128xi32>
    %add3A_129 = arith.addi %add3A_128, %iota3A_2 : vector<512x128xi32>
    %get3A_130 = arith.constant 0 : index
    %get3A_131 = arith.constant 0 : index
    %get3A_132 = vector.load %arg2[%get3A_130, %get3A_131] : memref<512x16xi32, #tpu.memory_space<vmem>>, vector<512x16xi32>
    %slice3A_133 = vector.extract_strided_slice %get3A_132 {offsets = [0, 10], sizes = [512, 1], strides = [1, 1]} : vector<512x16xi32> to vector<512x1xi32>
    %mul3A_134 = arith.constant 784 : i32
    %mul3A_135 = vector.broadcast %mul3A_134 : i32 to vector<512x1xi32>
    %mul3A_136 = arith.muli %add3A_1, %mul3A_135 : vector<512x1xi32>
    %sub3A_137 = arith.subi %slice3A_133, %mul3A_136 : vector<512x1xi32>
    %mul3A_138 = arith.constant 128 : i32
    %mul3A_139 = vector.broadcast %mul3A_138 : i32 to vector<512x1xi32>
    %mul3A_140 = arith.muli %sub3A_137, %mul3A_139 : vector<512x1xi32>
    %add3A_141 = vector.broadcast %mul3A_140 : vector<512x1xi32> to vector<512x128xi32>
    %add3A_142 = arith.addi %add3A_141, %iota3A_2 : vector<512x128xi32>
    %get3A_143 = arith.constant 0 : index
    %get3A_144 = arith.constant 0 : index
    %get3A_145 = vector.load %arg2[%get3A_143, %get3A_144] : memref<512x16xi32, #tpu.memory_space<vmem>>, vector<512x16xi32>
    %slice3A_146 = vector.extract_strided_slice %get3A_145 {offsets = [0, 11], sizes = [512, 1], strides = [1, 1]} : vector<512x16xi32> to vector<512x1xi32>
    %mul3A_147 = arith.constant 784 : i32
    %mul3A_148 = vector.broadcast %mul3A_147 : i32 to vector<512x1xi32>
    %mul3A_149 = arith.muli %add3A_1, %mul3A_148 : vector<512x1xi32>
    %sub3A_150 = arith.subi %slice3A_146, %mul3A_149 : vector<512x1xi32>
    %mul3A_151 = arith.constant 128 : i32
    %mul3A_152 = vector.broadcast %mul3A_151 : i32 to vector<512x1xi32>
    %mul3A_153 = arith.muli %sub3A_150, %mul3A_152 : vector<512x1xi32>
    %add3A_154 = vector.broadcast %mul3A_153 : vector<512x1xi32> to vector<512x128xi32>
    %add3A_155 = arith.addi %add3A_154, %iota3A_2 : vector<512x128xi32>
    %get3A_156 = arith.constant 0 : index
    %get3A_157 = arith.constant 0 : index
    %get3A_158 = vector.load %arg2[%get3A_156, %get3A_157] : memref<512x16xi32, #tpu.memory_space<vmem>>, vector<512x16xi32>
    %slice3A_159 = vector.extract_strided_slice %get3A_158 {offsets = [0, 12], sizes = [512, 1], strides = [1, 1]} : vector<512x16xi32> to vector<512x1xi32>
    %mul3A_160 = arith.constant 784 : i32
    %mul3A_161 = vector.broadcast %mul3A_160 : i32 to vector<512x1xi32>
    %mul3A_162 = arith.muli %add3A_1, %mul3A_161 : vector<512x1xi32>
    %sub3A_163 = arith.subi %slice3A_159, %mul3A_162 : vector<512x1xi32>
    %mul3A_164 = arith.constant 128 : i32
    %mul3A_165 = vector.broadcast %mul3A_164 : i32 to vector<512x1xi32>
    %mul3A_166 = arith.muli %sub3A_163, %mul3A_165 : vector<512x1xi32>
    %add3A_167 = vector.broadcast %mul3A_166 : vector<512x1xi32> to vector<512x128xi32>
    %add3A_168 = arith.addi %add3A_167, %iota3A_2 : vector<512x128xi32>
    %get3A_169 = arith.constant 0 : index
    %get3A_170 = arith.constant 0 : index
    %get3A_171 = vector.load %arg2[%get3A_169, %get3A_170] : memref<512x16xi32, #tpu.memory_space<vmem>>, vector<512x16xi32>
    %slice3A_172 = vector.extract_strided_slice %get3A_171 {offsets = [0, 13], sizes = [512, 1], strides = [1, 1]} : vector<512x16xi32> to vector<512x1xi32>
    %mul3A_173 = arith.constant 784 : i32
    %mul3A_174 = vector.broadcast %mul3A_173 : i32 to vector<512x1xi32>
    %mul3A_175 = arith.muli %add3A_1, %mul3A_174 : vector<512x1xi32>
    %sub3A_176 = arith.subi %slice3A_172, %mul3A_175 : vector<512x1xi32>
    %mul3A_177 = arith.constant 128 : i32
    %mul3A_178 = vector.broadcast %mul3A_177 : i32 to vector<512x1xi32>
    %mul3A_179 = arith.muli %sub3A_176, %mul3A_178 : vector<512x1xi32>
    %add3A_180 = vector.broadcast %mul3A_179 : vector<512x1xi32> to vector<512x128xi32>
    %add3A_181 = arith.addi %add3A_180, %iota3A_2 : vector<512x128xi32>
    %get3A_182 = arith.constant 0 : index
    %get3A_183 = arith.constant 0 : index
    %get3A_184 = vector.load %arg2[%get3A_182, %get3A_183] : memref<512x16xi32, #tpu.memory_space<vmem>>, vector<512x16xi32>
    %slice3A_185 = vector.extract_strided_slice %get3A_184 {offsets = [0, 14], sizes = [512, 1], strides = [1, 1]} : vector<512x16xi32> to vector<512x1xi32>
    %mul3A_186 = arith.constant 784 : i32
    %mul3A_187 = vector.broadcast %mul3A_186 : i32 to vector<512x1xi32>
    %mul3A_188 = arith.muli %add3A_1, %mul3A_187 : vector<512x1xi32>
    %sub3A_189 = arith.subi %slice3A_185, %mul3A_188 : vector<512x1xi32>
    %mul3A_190 = arith.constant 128 : i32
    %mul3A_191 = vector.broadcast %mul3A_190 : i32 to vector<512x1xi32>
    %mul3A_192 = arith.muli %sub3A_189, %mul3A_191 : vector<512x1xi32>
    %add3A_193 = vector.broadcast %mul3A_192 : vector<512x1xi32> to vector<512x128xi32>
    %add3A_194 = arith.addi %add3A_193, %iota3A_2 : vector<512x128xi32>
    %get3A_195 = arith.constant 0 : index
    %get3A_196 = arith.constant 0 : index
    %get3A_197 = vector.load %arg2[%get3A_195, %get3A_196] : memref<512x16xi32, #tpu.memory_space<vmem>>, vector<512x16xi32>
    %slice3A_198 = vector.extract_strided_slice %get3A_197 {offsets = [0, 15], sizes = [512, 1], strides = [1, 1]} : vector<512x16xi32> to vector<512x1xi32>
    %mul3A_199 = arith.constant 784 : i32
    %mul3A_200 = vector.broadcast %mul3A_199 : i32 to vector<512x1xi32>
    %mul3A_201 = arith.muli %add3A_1, %mul3A_200 : vector<512x1xi32>
    %sub3A_202 = arith.subi %slice3A_198, %mul3A_201 : vector<512x1xi32>
    %mul3A_203 = arith.constant 128 : i32
    %mul3A_204 = vector.broadcast %mul3A_203 : i32 to vector<512x1xi32>
    %mul3A_205 = arith.muli %sub3A_202, %mul3A_204 : vector<512x1xi32>
    %add3A_206 = vector.broadcast %mul3A_205 : vector<512x1xi32> to vector<512x128xi32>
    %add3A_207 = arith.addi %add3A_206, %iota3A_2 : vector<512x128xi32>
    %concatenate3A = tpu.concatenate %add3A_12, %add3A_25, %add3A_38, %add3A_51, %add3A_64, %add3A_77, %add3A_90, %add3A_103, %add3A_116, %add3A_129, %add3A_142, %add3A_155, %add3A_168, %add3A_181, %add3A_194, %add3A_207 in 1 : vector<512x128xi32>, vector<512x128xi32>, vector<512x128xi32>, vector<512x128xi32>, vector<512x128xi32>, vector<512x128xi32>, vector<512x128xi32>, vector<512x128xi32>, vector<512x128xi32>, vector<512x128xi32>, vector<512x128xi32>, vector<512x128xi32>, vector<512x128xi32>, vector<512x128xi32>, vector<512x128xi32>, vector<512x128xi32> -> vector<512x2048xi32>
    %get3A_208 = arith.constant 0 : index
    %get3A_209 = arith.constant 0 : index
    %get3A_210 = vector.load %arg1[%get3A_208, %get3A_209] : memref<512x2048xf32, #tpu.memory_space<vmem>>, vector<512x2048xf32>
    %reduce_max3A = arith.constant dense<0xFF800000> : vector<512xf32>
    %reduce_max3A_211 = vector.multi_reduction <maximumf>, %get3A_210, %reduce_max3A [1] : vector<512x2048xf32> to vector<512xf32>
    %broadcast_in_dim3A = vector.shape_cast %reduce_max3A_211 : vector<512xf32> to vector<512x1xf32>
    %eq3A = vector.broadcast %broadcast_in_dim3A : vector<512x1xf32> to vector<512x2048xf32>
    %eq3A_212 = arith.cmpf oeq, %get3A_210, %eq3A : vector<512x2048xf32>
    %jit3A = arith.constant 2147483647 : i32
    %broadcast_in_dim3A_213 = vector.broadcast %jit3A : i32 to vector<512x2048xi32>
    %select_n3A = arith.select %eq3A_212, %concatenate3A, %broadcast_in_dim3A_213 : vector<512x2048xi1>, vector<512x2048xi32>
    %reduce_min3A = arith.constant dense<2147483647> : vector<512xi32>
    %reduce_min3A_214 = vector.multi_reduction <minsi>, %select_n3A, %reduce_min3A [1] : vector<512x2048xi32> to vector<512xi32>
    %broadcast_in_dim3A_215 = vector.shape_cast %reduce_min3A_214 : vector<512xi32> to vector<512x1xi32>
    %eq3A_216 = vector.broadcast %broadcast_in_dim3A_215 : vector<512x1xi32> to vector<512x2048xi32>
    %eq3A_217 = arith.cmpi eq, %concatenate3A, %eq3A_216 : vector<512x2048xi32>
    %jit3A_218 = arith.constant 0xFF800000 : f32
    %broadcast_in_dim3A_219 = vector.broadcast %jit3A_218 : f32 to vector<512x2048xf32>
    %select_n3A_220 = arith.select %eq3A_217, %broadcast_in_dim3A_219, %get3A_210 : vector<512x2048xi1>, vector<512x2048xf32>
    %reduce_max3A_221 = arith.constant dense<0xFF800000> : vector<512xf32>
    %reduce_max3A_222 = vector.multi_reduction <maximumf>, %select_n3A_220, %reduce_max3A_221 [1] : vector<512x2048xf32> to vector<512xf32>
    %broadcast_in_dim3A_223 = vector.shape_cast %reduce_max3A_222 : vector<512xf32> to vector<512x1xf32>
    %eq3A_224 = vector.broadcast %broadcast_in_dim3A_223 : vector<512x1xf32> to vector<512x2048xf32>
    %eq3A_225 = arith.cmpf oeq, %select_n3A_220, %eq3A_224 : vector<512x2048xf32>
    %jit3A_226 = arith.constant 2147483647 : i32
    %broadcast_in_dim3A_227 = vector.broadcast %jit3A_226 : i32 to vector<512x2048xi32>
    %select_n3A_228 = arith.select %eq3A_225, %concatenate3A, %broadcast_in_dim3A_227 : vector<512x2048xi1>, vector<512x2048xi32>
    %reduce_min3A_229 = arith.constant dense<2147483647> : vector<512xi32>
    %reduce_min3A_230 = vector.multi_reduction <minsi>, %select_n3A_228, %reduce_min3A_229 [1] : vector<512x2048xi32> to vector<512xi32>
    %broadcast_in_dim3A_231 = vector.shape_cast %reduce_min3A_230 : vector<512xi32> to vector<512x1xi32>
    %eq3A_232 = vector.broadcast %broadcast_in_dim3A_231 : vector<512x1xi32> to vector<512x2048xi32>
    %eq3A_233 = arith.cmpi eq, %concatenate3A, %eq3A_232 : vector<512x2048xi32>
    %jit3A_234 = arith.constant 0xFF800000 : f32
    %broadcast_in_dim3A_235 = vector.broadcast %jit3A_234 : f32 to vector<512x2048xf32>
    %select_n3A_236 = arith.select %eq3A_233, %broadcast_in_dim3A_235, %select_n3A_220 : vector<512x2048xi1>, vector<512x2048xf32>
    %reduce_max3A_237 = arith.constant dense<0xFF800000> : vector<512xf32>
    %reduce_max3A_238 = vector.multi_reduction <maximumf>, %select_n3A_236, %reduce_max3A_237 [1] : vector<512x2048xf32> to vector<512xf32>
    %broadcast_in_dim3A_239 = vector.shape_cast %reduce_max3A_238 : vector<512xf32> to vector<512x1xf32>
    %eq3A_240 = vector.broadcast %broadcast_in_dim3A_239 : vector<512x1xf32> to vector<512x2048xf32>
    %eq3A_241 = arith.cmpf oeq, %select_n3A_236, %eq3A_240 : vector<512x2048xf32>
    %jit3A_242 = arith.constant 2147483647 : i32
    %broadcast_in_dim3A_243 = vector.broadcast %jit3A_242 : i32 to vector<512x2048xi32>
    %select_n3A_244 = arith.select %eq3A_241, %concatenate3A, %broadcast_in_dim3A_243 : vector<512x2048xi1>, vector<512x2048xi32>
    %reduce_min3A_245 = arith.constant dense<2147483647> : vector<512xi32>
    %reduce_min3A_246 = vector.multi_reduction <minsi>, %select_n3A_244, %reduce_min3A_245 [1] : vector<512x2048xi32> to vector<512xi32>
    %broadcast_in_dim3A_247 = vector.shape_cast %reduce_min3A_246 : vector<512xi32> to vector<512x1xi32>
    %eq3A_248 = vector.broadcast %broadcast_in_dim3A_247 : vector<512x1xi32> to vector<512x2048xi32>
    %eq3A_249 = arith.cmpi eq, %concatenate3A, %eq3A_248 : vector<512x2048xi32>
    %jit3A_250 = arith.constant 0xFF800000 : f32
    %broadcast_in_dim3A_251 = vector.broadcast %jit3A_250 : f32 to vector<512x2048xf32>
    %select_n3A_252 = arith.select %eq3A_249, %broadcast_in_dim3A_251, %select_n3A_236 : vector<512x2048xi1>, vector<512x2048xf32>
    %reduce_max3A_253 = arith.constant dense<0xFF800000> : vector<512xf32>
    %reduce_max3A_254 = vector.multi_reduction <maximumf>, %select_n3A_252, %reduce_max3A_253 [1] : vector<512x2048xf32> to vector<512xf32>
    %broadcast_in_dim3A_255 = vector.shape_cast %reduce_max3A_254 : vector<512xf32> to vector<512x1xf32>
    %eq3A_256 = vector.broadcast %broadcast_in_dim3A_255 : vector<512x1xf32> to vector<512x2048xf32>
    %eq3A_257 = arith.cmpf oeq, %select_n3A_252, %eq3A_256 : vector<512x2048xf32>
    %jit3A_258 = arith.constant 2147483647 : i32
    %broadcast_in_dim3A_259 = vector.broadcast %jit3A_258 : i32 to vector<512x2048xi32>
    %select_n3A_260 = arith.select %eq3A_257, %concatenate3A, %broadcast_in_dim3A_259 : vector<512x2048xi1>, vector<512x2048xi32>
    %reduce_min3A_261 = arith.constant dense<2147483647> : vector<512xi32>
    %reduce_min3A_262 = vector.multi_reduction <minsi>, %select_n3A_260, %reduce_min3A_261 [1] : vector<512x2048xi32> to vector<512xi32>
    %broadcast_in_dim3A_263 = vector.shape_cast %reduce_min3A_262 : vector<512xi32> to vector<512x1xi32>
    %eq3A_264 = vector.broadcast %broadcast_in_dim3A_263 : vector<512x1xi32> to vector<512x2048xi32>
    %eq3A_265 = arith.cmpi eq, %concatenate3A, %eq3A_264 : vector<512x2048xi32>
    %jit3A_266 = arith.constant 0xFF800000 : f32
    %broadcast_in_dim3A_267 = vector.broadcast %jit3A_266 : f32 to vector<512x2048xf32>
    %select_n3A_268 = arith.select %eq3A_265, %broadcast_in_dim3A_267, %select_n3A_252 : vector<512x2048xi1>, vector<512x2048xf32>
    %reduce_max3A_269 = arith.constant dense<0xFF800000> : vector<512xf32>
    %reduce_max3A_270 = vector.multi_reduction <maximumf>, %select_n3A_268, %reduce_max3A_269 [1] : vector<512x2048xf32> to vector<512xf32>
    %broadcast_in_dim3A_271 = vector.shape_cast %reduce_max3A_270 : vector<512xf32> to vector<512x1xf32>
    %eq3A_272 = vector.broadcast %broadcast_in_dim3A_271 : vector<512x1xf32> to vector<512x2048xf32>
    %eq3A_273 = arith.cmpf oeq, %select_n3A_268, %eq3A_272 : vector<512x2048xf32>
    %jit3A_274 = arith.constant 2147483647 : i32
    %broadcast_in_dim3A_275 = vector.broadcast %jit3A_274 : i32 to vector<512x2048xi32>
    %select_n3A_276 = arith.select %eq3A_273, %concatenate3A, %broadcast_in_dim3A_275 : vector<512x2048xi1>, vector<512x2048xi32>
    %reduce_min3A_277 = arith.constant dense<2147483647> : vector<512xi32>
    %reduce_min3A_278 = vector.multi_reduction <minsi>, %select_n3A_276, %reduce_min3A_277 [1] : vector<512x2048xi32> to vector<512xi32>
    %broadcast_in_dim3A_279 = vector.shape_cast %reduce_min3A_278 : vector<512xi32> to vector<512x1xi32>
    %eq3A_280 = vector.broadcast %broadcast_in_dim3A_279 : vector<512x1xi32> to vector<512x2048xi32>
    %eq3A_281 = arith.cmpi eq, %concatenate3A, %eq3A_280 : vector<512x2048xi32>
    %jit3A_282 = arith.constant 0xFF800000 : f32
    %broadcast_in_dim3A_283 = vector.broadcast %jit3A_282 : f32 to vector<512x2048xf32>
    %select_n3A_284 = arith.select %eq3A_281, %broadcast_in_dim3A_283, %select_n3A_268 : vector<512x2048xi1>, vector<512x2048xf32>
    %reduce_max3A_285 = arith.constant dense<0xFF800000> : vector<512xf32>
    %reduce_max3A_286 = vector.multi_reduction <maximumf>, %select_n3A_284, %reduce_max3A_285 [1] : vector<512x2048xf32> to vector<512xf32>
    %broadcast_in_dim3A_287 = vector.shape_cast %reduce_max3A_286 : vector<512xf32> to vector<512x1xf32>
    %eq3A_288 = vector.broadcast %broadcast_in_dim3A_287 : vector<512x1xf32> to vector<512x2048xf32>
    %eq3A_289 = arith.cmpf oeq, %select_n3A_284, %eq3A_288 : vector<512x2048xf32>
    %jit3A_290 = arith.constant 2147483647 : i32
    %broadcast_in_dim3A_291 = vector.broadcast %jit3A_290 : i32 to vector<512x2048xi32>
    %select_n3A_292 = arith.select %eq3A_289, %concatenate3A, %broadcast_in_dim3A_291 : vector<512x2048xi1>, vector<512x2048xi32>
    %reduce_min3A_293 = arith.constant dense<2147483647> : vector<512xi32>
    %reduce_min3A_294 = vector.multi_reduction <minsi>, %select_n3A_292, %reduce_min3A_293 [1] : vector<512x2048xi32> to vector<512xi32>
    %broadcast_in_dim3A_295 = vector.shape_cast %reduce_min3A_294 : vector<512xi32> to vector<512x1xi32>
    %eq3A_296 = vector.broadcast %broadcast_in_dim3A_295 : vector<512x1xi32> to vector<512x2048xi32>
    %eq3A_297 = arith.cmpi eq, %concatenate3A, %eq3A_296 : vector<512x2048xi32>
    %jit3A_298 = arith.constant 0xFF800000 : f32
    %broadcast_in_dim3A_299 = vector.broadcast %jit3A_298 : f32 to vector<512x2048xf32>
    %select_n3A_300 = arith.select %eq3A_297, %broadcast_in_dim3A_299, %select_n3A_284 : vector<512x2048xi1>, vector<512x2048xf32>
    %reduce_max3A_301 = arith.constant dense<0xFF800000> : vector<512xf32>
    %reduce_max3A_302 = vector.multi_reduction <maximumf>, %select_n3A_300, %reduce_max3A_301 [1] : vector<512x2048xf32> to vector<512xf32>
    %broadcast_in_dim3A_303 = vector.shape_cast %reduce_max3A_302 : vector<512xf32> to vector<512x1xf32>
    %eq3A_304 = vector.broadcast %broadcast_in_dim3A_303 : vector<512x1xf32> to vector<512x2048xf32>
    %eq3A_305 = arith.cmpf oeq, %select_n3A_300, %eq3A_304 : vector<512x2048xf32>
    %jit3A_306 = arith.constant 2147483647 : i32
    %broadcast_in_dim3A_307 = vector.broadcast %jit3A_306 : i32 to vector<512x2048xi32>
    %select_n3A_308 = arith.select %eq3A_305, %concatenate3A, %broadcast_in_dim3A_307 : vector<512x2048xi1>, vector<512x2048xi32>
    %reduce_min3A_309 = arith.constant dense<2147483647> : vector<512xi32>
    %reduce_min3A_310 = vector.multi_reduction <minsi>, %select_n3A_308, %reduce_min3A_309 [1] : vector<512x2048xi32> to vector<512xi32>
    %broadcast_in_dim3A_311 = vector.shape_cast %reduce_min3A_310 : vector<512xi32> to vector<512x1xi32>
    %eq3A_312 = vector.broadcast %broadcast_in_dim3A_311 : vector<512x1xi32> to vector<512x2048xi32>
    %eq3A_313 = arith.cmpi eq, %concatenate3A, %eq3A_312 : vector<512x2048xi32>
    %jit3A_314 = arith.constant 0xFF800000 : f32
    %broadcast_in_dim3A_315 = vector.broadcast %jit3A_314 : f32 to vector<512x2048xf32>
    %select_n3A_316 = arith.select %eq3A_313, %broadcast_in_dim3A_315, %select_n3A_300 : vector<512x2048xi1>, vector<512x2048xf32>
    %reduce_max3A_317 = arith.constant dense<0xFF800000> : vector<512xf32>
    %reduce_max3A_318 = vector.multi_reduction <maximumf>, %select_n3A_316, %reduce_max3A_317 [1] : vector<512x2048xf32> to vector<512xf32>
    %broadcast_in_dim3A_319 = vector.shape_cast %reduce_max3A_318 : vector<512xf32> to vector<512x1xf32>
    %eq3A_320 = vector.broadcast %broadcast_in_dim3A_319 : vector<512x1xf32> to vector<512x2048xf32>
    %eq3A_321 = arith.cmpf oeq, %select_n3A_316, %eq3A_320 : vector<512x2048xf32>
    %jit3A_322 = arith.constant 2147483647 : i32
    %broadcast_in_dim3A_323 = vector.broadcast %jit3A_322 : i32 to vector<512x2048xi32>
    %select_n3A_324 = arith.select %eq3A_321, %concatenate3A, %broadcast_in_dim3A_323 : vector<512x2048xi1>, vector<512x2048xi32>
    %reduce_min3A_325 = arith.constant dense<2147483647> : vector<512xi32>
    %reduce_min3A_326 = vector.multi_reduction <minsi>, %select_n3A_324, %reduce_min3A_325 [1] : vector<512x2048xi32> to vector<512xi32>
    %broadcast_in_dim3A_327 = vector.shape_cast %reduce_min3A_326 : vector<512xi32> to vector<512x1xi32>
    %eq3A_328 = vector.broadcast %broadcast_in_dim3A_327 : vector<512x1xi32> to vector<512x2048xi32>
    %eq3A_329 = arith.cmpi eq, %concatenate3A, %eq3A_328 : vector<512x2048xi32>
    %jit3A_330 = arith.constant 0xFF800000 : f32
    %broadcast_in_dim3A_331 = vector.broadcast %jit3A_330 : f32 to vector<512x2048xf32>
    %select_n3A_332 = arith.select %eq3A_329, %broadcast_in_dim3A_331, %select_n3A_316 : vector<512x2048xi1>, vector<512x2048xf32>
    %reduce_max3A_333 = arith.constant dense<0xFF800000> : vector<512xf32>
    %reduce_max3A_334 = vector.multi_reduction <maximumf>, %select_n3A_332, %reduce_max3A_333 [1] : vector<512x2048xf32> to vector<512xf32>
    %broadcast_in_dim3A_335 = vector.shape_cast %reduce_max3A_334 : vector<512xf32> to vector<512x1xf32>
    %eq3A_336 = vector.broadcast %broadcast_in_dim3A_335 : vector<512x1xf32> to vector<512x2048xf32>
    %eq3A_337 = arith.cmpf oeq, %select_n3A_332, %eq3A_336 : vector<512x2048xf32>
    %jit3A_338 = arith.constant 2147483647 : i32
    %broadcast_in_dim3A_339 = vector.broadcast %jit3A_338 : i32 to vector<512x2048xi32>
    %select_n3A_340 = arith.select %eq3A_337, %concatenate3A, %broadcast_in_dim3A_339 : vector<512x2048xi1>, vector<512x2048xi32>
    %reduce_min3A_341 = arith.constant dense<2147483647> : vector<512xi32>
    %reduce_min3A_342 = vector.multi_reduction <minsi>, %select_n3A_340, %reduce_min3A_341 [1] : vector<512x2048xi32> to vector<512xi32>
    %broadcast_in_dim3A_343 = vector.shape_cast %reduce_min3A_342 : vector<512xi32> to vector<512x1xi32>
    %eq3A_344 = vector.broadcast %broadcast_in_dim3A_343 : vector<512x1xi32> to vector<512x2048xi32>
    %eq3A_345 = arith.cmpi eq, %concatenate3A, %eq3A_344 : vector<512x2048xi32>
    %jit3A_346 = arith.constant 0xFF800000 : f32
    %broadcast_in_dim3A_347 = vector.broadcast %jit3A_346 : f32 to vector<512x2048xf32>
    %select_n3A_348 = arith.select %eq3A_345, %broadcast_in_dim3A_347, %select_n3A_332 : vector<512x2048xi1>, vector<512x2048xf32>
    %reduce_max3A_349 = arith.constant dense<0xFF800000> : vector<512xf32>
    %reduce_max3A_350 = vector.multi_reduction <maximumf>, %select_n3A_348, %reduce_max3A_349 [1] : vector<512x2048xf32> to vector<512xf32>
    %broadcast_in_dim3A_351 = vector.shape_cast %reduce_max3A_350 : vector<512xf32> to vector<512x1xf32>
    %eq3A_352 = vector.broadcast %broadcast_in_dim3A_351 : vector<512x1xf32> to vector<512x2048xf32>
    %eq3A_353 = arith.cmpf oeq, %select_n3A_348, %eq3A_352 : vector<512x2048xf32>
    %jit3A_354 = arith.constant 2147483647 : i32
    %broadcast_in_dim3A_355 = vector.broadcast %jit3A_354 : i32 to vector<512x2048xi32>
    %select_n3A_356 = arith.select %eq3A_353, %concatenate3A, %broadcast_in_dim3A_355 : vector<512x2048xi1>, vector<512x2048xi32>
    %reduce_min3A_357 = arith.constant dense<2147483647> : vector<512xi32>
    %reduce_min3A_358 = vector.multi_reduction <minsi>, %select_n3A_356, %reduce_min3A_357 [1] : vector<512x2048xi32> to vector<512xi32>
    %broadcast_in_dim3A_359 = vector.shape_cast %reduce_min3A_358 : vector<512xi32> to vector<512x1xi32>
    %eq3A_360 = vector.broadcast %broadcast_in_dim3A_359 : vector<512x1xi32> to vector<512x2048xi32>
    %eq3A_361 = arith.cmpi eq, %concatenate3A, %eq3A_360 : vector<512x2048xi32>
    %jit3A_362 = arith.constant 0xFF800000 : f32
    %broadcast_in_dim3A_363 = vector.broadcast %jit3A_362 : f32 to vector<512x2048xf32>
    %select_n3A_364 = arith.select %eq3A_361, %broadcast_in_dim3A_363, %select_n3A_348 : vector<512x2048xi1>, vector<512x2048xf32>
    %reduce_max3A_365 = arith.constant dense<0xFF800000> : vector<512xf32>
    %reduce_max3A_366 = vector.multi_reduction <maximumf>, %select_n3A_364, %reduce_max3A_365 [1] : vector<512x2048xf32> to vector<512xf32>
    %broadcast_in_dim3A_367 = vector.shape_cast %reduce_max3A_366 : vector<512xf32> to vector<512x1xf32>
    %eq3A_368 = vector.broadcast %broadcast_in_dim3A_367 : vector<512x1xf32> to vector<512x2048xf32>
    %eq3A_369 = arith.cmpf oeq, %select_n3A_364, %eq3A_368 : vector<512x2048xf32>
    %jit3A_370 = arith.constant 2147483647 : i32
    %broadcast_in_dim3A_371 = vector.broadcast %jit3A_370 : i32 to vector<512x2048xi32>
    %select_n3A_372 = arith.select %eq3A_369, %concatenate3A, %broadcast_in_dim3A_371 : vector<512x2048xi1>, vector<512x2048xi32>
    %reduce_min3A_373 = arith.constant dense<2147483647> : vector<512xi32>
    %reduce_min3A_374 = vector.multi_reduction <minsi>, %select_n3A_372, %reduce_min3A_373 [1] : vector<512x2048xi32> to vector<512xi32>
    %broadcast_in_dim3A_375 = vector.shape_cast %reduce_min3A_374 : vector<512xi32> to vector<512x1xi32>
    %eq3A_376 = vector.broadcast %broadcast_in_dim3A_375 : vector<512x1xi32> to vector<512x2048xi32>
    %eq3A_377 = arith.cmpi eq, %concatenate3A, %eq3A_376 : vector<512x2048xi32>
    %jit3A_378 = arith.constant 0xFF800000 : f32
    %broadcast_in_dim3A_379 = vector.broadcast %jit3A_378 : f32 to vector<512x2048xf32>
    %select_n3A_380 = arith.select %eq3A_377, %broadcast_in_dim3A_379, %select_n3A_364 : vector<512x2048xi1>, vector<512x2048xf32>
    %reduce_max3A_381 = arith.constant dense<0xFF800000> : vector<512xf32>
    %reduce_max3A_382 = vector.multi_reduction <maximumf>, %select_n3A_380, %reduce_max3A_381 [1] : vector<512x2048xf32> to vector<512xf32>
    %broadcast_in_dim3A_383 = vector.shape_cast %reduce_max3A_382 : vector<512xf32> to vector<512x1xf32>
    %eq3A_384 = vector.broadcast %broadcast_in_dim3A_383 : vector<512x1xf32> to vector<512x2048xf32>
    %eq3A_385 = arith.cmpf oeq, %select_n3A_380, %eq3A_384 : vector<512x2048xf32>
    %jit3A_386 = arith.constant 2147483647 : i32
    %broadcast_in_dim3A_387 = vector.broadcast %jit3A_386 : i32 to vector<512x2048xi32>
    %select_n3A_388 = arith.select %eq3A_385, %concatenate3A, %broadcast_in_dim3A_387 : vector<512x2048xi1>, vector<512x2048xi32>
    %reduce_min3A_389 = arith.constant dense<2147483647> : vector<512xi32>
    %reduce_min3A_390 = vector.multi_reduction <minsi>, %select_n3A_388, %reduce_min3A_389 [1] : vector<512x2048xi32> to vector<512xi32>
    %broadcast_in_dim3A_391 = vector.shape_cast %reduce_min3A_390 : vector<512xi32> to vector<512x1xi32>
    %eq3A_392 = vector.broadcast %broadcast_in_dim3A_391 : vector<512x1xi32> to vector<512x2048xi32>
    %eq3A_393 = arith.cmpi eq, %concatenate3A, %eq3A_392 : vector<512x2048xi32>
    %jit3A_394 = arith.constant 0xFF800000 : f32
    %broadcast_in_dim3A_395 = vector.broadcast %jit3A_394 : f32 to vector<512x2048xf32>
    %select_n3A_396 = arith.select %eq3A_393, %broadcast_in_dim3A_395, %select_n3A_380 : vector<512x2048xi1>, vector<512x2048xf32>
    %reduce_max3A_397 = arith.constant dense<0xFF800000> : vector<512xf32>
    %reduce_max3A_398 = vector.multi_reduction <maximumf>, %select_n3A_396, %reduce_max3A_397 [1] : vector<512x2048xf32> to vector<512xf32>
    %broadcast_in_dim3A_399 = vector.shape_cast %reduce_max3A_398 : vector<512xf32> to vector<512x1xf32>
    %eq3A_400 = vector.broadcast %broadcast_in_dim3A_399 : vector<512x1xf32> to vector<512x2048xf32>
    %eq3A_401 = arith.cmpf oeq, %select_n3A_396, %eq3A_400 : vector<512x2048xf32>
    %jit3A_402 = arith.constant 2147483647 : i32
    %broadcast_in_dim3A_403 = vector.broadcast %jit3A_402 : i32 to vector<512x2048xi32>
    %select_n3A_404 = arith.select %eq3A_401, %concatenate3A, %broadcast_in_dim3A_403 : vector<512x2048xi1>, vector<512x2048xi32>
    %reduce_min3A_405 = arith.constant dense<2147483647> : vector<512xi32>
    %reduce_min3A_406 = vector.multi_reduction <minsi>, %select_n3A_404, %reduce_min3A_405 [1] : vector<512x2048xi32> to vector<512xi32>
    %broadcast_in_dim3A_407 = vector.shape_cast %reduce_min3A_406 : vector<512xi32> to vector<512x1xi32>
    %eq3A_408 = vector.broadcast %broadcast_in_dim3A_407 : vector<512x1xi32> to vector<512x2048xi32>
    %eq3A_409 = arith.cmpi eq, %concatenate3A, %eq3A_408 : vector<512x2048xi32>
    %jit3A_410 = arith.constant 0xFF800000 : f32
    %broadcast_in_dim3A_411 = vector.broadcast %jit3A_410 : f32 to vector<512x2048xf32>
    %select_n3A_412 = arith.select %eq3A_409, %broadcast_in_dim3A_411, %select_n3A_396 : vector<512x2048xi1>, vector<512x2048xf32>
    %reduce_max3A_413 = arith.constant dense<0xFF800000> : vector<512xf32>
    %reduce_max3A_414 = vector.multi_reduction <maximumf>, %select_n3A_412, %reduce_max3A_413 [1] : vector<512x2048xf32> to vector<512xf32>
    %broadcast_in_dim3A_415 = vector.shape_cast %reduce_max3A_414 : vector<512xf32> to vector<512x1xf32>
    %eq3A_416 = vector.broadcast %broadcast_in_dim3A_415 : vector<512x1xf32> to vector<512x2048xf32>
    %eq3A_417 = arith.cmpf oeq, %select_n3A_412, %eq3A_416 : vector<512x2048xf32>
    %jit3A_418 = arith.constant 2147483647 : i32
    %broadcast_in_dim3A_419 = vector.broadcast %jit3A_418 : i32 to vector<512x2048xi32>
    %select_n3A_420 = arith.select %eq3A_417, %concatenate3A, %broadcast_in_dim3A_419 : vector<512x2048xi1>, vector<512x2048xi32>
    %reduce_min3A_421 = arith.constant dense<2147483647> : vector<512xi32>
    %reduce_min3A_422 = vector.multi_reduction <minsi>, %select_n3A_420, %reduce_min3A_421 [1] : vector<512x2048xi32> to vector<512xi32>
    %broadcast_in_dim3A_423 = vector.shape_cast %reduce_min3A_422 : vector<512xi32> to vector<512x1xi32>
    %eq3A_424 = vector.broadcast %broadcast_in_dim3A_423 : vector<512x1xi32> to vector<512x2048xi32>
    %eq3A_425 = arith.cmpi eq, %concatenate3A, %eq3A_424 : vector<512x2048xi32>
    %jit3A_426 = arith.constant 0xFF800000 : f32
    %broadcast_in_dim3A_427 = vector.broadcast %jit3A_426 : f32 to vector<512x2048xf32>
    %select_n3A_428 = arith.select %eq3A_425, %broadcast_in_dim3A_427, %select_n3A_412 : vector<512x2048xi1>, vector<512x2048xf32>
    %reduce_max3A_429 = arith.constant dense<0xFF800000> : vector<512xf32>
    %reduce_max3A_430 = vector.multi_reduction <maximumf>, %select_n3A_428, %reduce_max3A_429 [1] : vector<512x2048xf32> to vector<512xf32>
    %broadcast_in_dim3A_431 = vector.shape_cast %reduce_max3A_430 : vector<512xf32> to vector<512x1xf32>
    %eq3A_432 = vector.broadcast %broadcast_in_dim3A_431 : vector<512x1xf32> to vector<512x2048xf32>
    %eq3A_433 = arith.cmpf oeq, %select_n3A_428, %eq3A_432 : vector<512x2048xf32>
    %jit3A_434 = arith.constant 2147483647 : i32
    %broadcast_in_dim3A_435 = vector.broadcast %jit3A_434 : i32 to vector<512x2048xi32>
    %select_n3A_436 = arith.select %eq3A_433, %concatenate3A, %broadcast_in_dim3A_435 : vector<512x2048xi1>, vector<512x2048xi32>
    %reduce_min3A_437 = arith.constant dense<2147483647> : vector<512xi32>
    %reduce_min3A_438 = vector.multi_reduction <minsi>, %select_n3A_436, %reduce_min3A_437 [1] : vector<512x2048xi32> to vector<512xi32>
    %broadcast_in_dim3A_439 = vector.shape_cast %reduce_min3A_438 : vector<512xi32> to vector<512x1xi32>
    %eq3A_440 = vector.broadcast %broadcast_in_dim3A_439 : vector<512x1xi32> to vector<512x2048xi32>
    %eq3A_441 = arith.cmpi eq, %concatenate3A, %eq3A_440 : vector<512x2048xi32>
    %jit3A_442 = arith.constant 0xFF800000 : f32
    %broadcast_in_dim3A_443 = vector.broadcast %jit3A_442 : f32 to vector<512x2048xf32>
    %select_n3A_444 = arith.select %eq3A_441, %broadcast_in_dim3A_443, %select_n3A_428 : vector<512x2048xi1>, vector<512x2048xf32>
    %reduce_max3A_445 = arith.constant dense<0xFF800000> : vector<512xf32>
    %reduce_max3A_446 = vector.multi_reduction <maximumf>, %select_n3A_444, %reduce_max3A_445 [1] : vector<512x2048xf32> to vector<512xf32>
    %broadcast_in_dim3A_447 = vector.shape_cast %reduce_max3A_446 : vector<512xf32> to vector<512x1xf32>
    %eq3A_448 = vector.broadcast %broadcast_in_dim3A_447 : vector<512x1xf32> to vector<512x2048xf32>
    %eq3A_449 = arith.cmpf oeq, %select_n3A_444, %eq3A_448 : vector<512x2048xf32>
    %jit3A_450 = arith.constant 2147483647 : i32
    %broadcast_in_dim3A_451 = vector.broadcast %jit3A_450 : i32 to vector<512x2048xi32>
    %select_n3A_452 = arith.select %eq3A_449, %concatenate3A, %broadcast_in_dim3A_451 : vector<512x2048xi1>, vector<512x2048xi32>
    %reduce_min3A_453 = arith.constant dense<2147483647> : vector<512xi32>
    %reduce_min3A_454 = vector.multi_reduction <minsi>, %select_n3A_452, %reduce_min3A_453 [1] : vector<512x2048xi32> to vector<512xi32>
    %broadcast_in_dim3A_455 = vector.shape_cast %reduce_min3A_454 : vector<512xi32> to vector<512x1xi32>
    %concatenate3A_456 = tpu.concatenate %broadcast_in_dim3A, %broadcast_in_dim3A_223, %broadcast_in_dim3A_239, %broadcast_in_dim3A_255, %broadcast_in_dim3A_271, %broadcast_in_dim3A_287, %broadcast_in_dim3A_303, %broadcast_in_dim3A_319, %broadcast_in_dim3A_335, %broadcast_in_dim3A_351, %broadcast_in_dim3A_367, %broadcast_in_dim3A_383, %broadcast_in_dim3A_399, %broadcast_in_dim3A_415, %broadcast_in_dim3A_431, %broadcast_in_dim3A_447 in 1 : vector<512x1xf32>, vector<512x1xf32>, vector<512x1xf32>, vector<512x1xf32>, vector<512x1xf32>, vector<512x1xf32>, vector<512x1xf32>, vector<512x1xf32>, vector<512x1xf32>, vector<512x1xf32>, vector<512x1xf32>, vector<512x1xf32>, vector<512x1xf32>, vector<512x1xf32>, vector<512x1xf32>, vector<512x1xf32> -> vector<512x16xf32>
    %concatenate3A_457 = tpu.concatenate %broadcast_in_dim3A_215, %broadcast_in_dim3A_231, %broadcast_in_dim3A_247, %broadcast_in_dim3A_263, %broadcast_in_dim3A_279, %broadcast_in_dim3A_295, %broadcast_in_dim3A_311, %broadcast_in_dim3A_327, %broadcast_in_dim3A_343, %broadcast_in_dim3A_359, %broadcast_in_dim3A_375, %broadcast_in_dim3A_391, %broadcast_in_dim3A_407, %broadcast_in_dim3A_423, %broadcast_in_dim3A_439, %broadcast_in_dim3A_455 in 1 : vector<512x1xi32>, vector<512x1xi32>, vector<512x1xi32>, vector<512x1xi32>, vector<512x1xi32>, vector<512x1xi32>, vector<512x1xi32>, vector<512x1xi32>, vector<512x1xi32>, vector<512x1xi32>, vector<512x1xi32>, vector<512x1xi32>, vector<512x1xi32>, vector<512x1xi32>, vector<512x1xi32>, vector<512x1xi32> -> vector<512x16xi32>
    %swap3A = arith.constant 0 : index
    %swap3A_458 = arith.constant 0 : index
    %swap3A_459 = vector.load %arg3[%swap3A, %swap3A_458] : memref<512x16xf32, #tpu.memory_space<vmem>>, vector<512x16xf32>
    tpu.vector_store %arg3[%swap3A, %swap3A_458], %concatenate3A_456 {strides = array<i32>} : memref<512x16xf32, #tpu.memory_space<vmem>>, vector<512x16xf32>,
    %swap3A_460 = arith.constant 0 : index
    %swap3A_461 = arith.constant 0 : index
    %swap3A_462 = vector.load %arg4[%swap3A_460, %swap3A_461] : memref<512x16xi32, #tpu.memory_space<vmem>>, vector<512x16xi32>
    tpu.vector_store %arg4[%swap3A_460, %swap3A_461], %concatenate3A_457 {strides = array<i32>} : memref<512x16xi32, #tpu.memory_space<vmem>>, vector<512x16xi32>,
    return
  }
  func.func @transform_0(%arg0: i32) -> (i32, i32) {
    %c0_i32 = arith.constant 0 : i32
    %c0_i32_0 = arith.constant 0 : i32
    return %arg0, %c0_i32 : i32, i32
  }
  func.func @transform_1(%arg0: i32) -> (i32, i32) {
    %c0_i32 = arith.constant 0 : i32
    %c0_i32_0 = arith.constant 0 : i32
    return %arg0, %c0_i32 : i32, i32
  }
  func.func @transform_2(%arg0: i32) -> (i32, i32) {
    %c0_i32 = arith.constant 0 : i32
    %c0_i32_0 = arith.constant 0 : i32
    return %arg0, %c0_i32 : i32, i32
  }
  func.func @transform_3(%arg0: i32) -> (i32, i32) {
    %c0_i32 = arith.constant 0 : i32
    %c0_i32_0 = arith.constant 0 : i32
    return %arg0, %c0_i32 : i32, i32
  }
}

</mosaic_0001>

<sc_bundles>
// kernel: kernel.10.cloned.1.call-start
scs
__scs_entry_jumppad:
0x0: {  	(pc) =	sbr.rel $0x88, $3  }
0x1: {  	(tag) =	ssettag $0x0;
	lr =	simm.s32 $0x1  }
0x2: {  	[smem:$0x3F9F] =	sst lr;
	_ =	strace $0xD0000000  }
0x3: {  	_ = 	snop  }
0x4: {  	_ = 	snop  }
0x5: {  	_ = 	snop  }
0x6: {  	_ = 	snop  }
0x7: {  	_ = 	snop  }
__scs_overlays_trampoline_lowered:
0x8: {  	[smem:$0x3FAE] =	sst s0  }
0x9: {  	[smem:$0x3FAF] =	sst s1  }
0xa: {  	[smem:$0x3FB0] =	sst s2  }
0xb: {  	[smem:$0x3FB1] =	sst s3  }
0xc: {  	[smem:$0x3FB2] =	sst s4  }
0xd: {  	[smem:$0x3FB3] =	sst s5  }
0xe: {  	[smem:$0x3FB4] =	sst s6  }
0xf: {  	[smem:$0x3FB5] =	sst s7  }
0x10: {  	[smem:$0x3FB6] =	sst s8  }
0x11: {  	[smem:$0x3FB7] =	sst s9;
	s0 =	simm.s32 @!p0 $0x0  }
0x12: {  	s1 =	sld [smem:$0x3F9D];
	s0 =	simm.s32 @p0 $0x1  }
0x13: {  	[smem:$0x3FB8] =	sst s0;
	s0 =	simm.s32 @!p1 $0x0  }
0x14: {  	s2 =	sld [smem:$0x3F9C];
	s0 =	simm.s32 @p1 $0x1  }
0x15: {  	[smem:$0x3FB9] =	sst s0;
	s0 =	simm.s32 @!p2 $0x0  }
0x16: {  	s3 =	sld [smem:$0x3FDB];
	s0 =	simm.s32 @p2 $0x1  }
0x17: {  	s4 =	simm.s32 $0x1BF5;
	[smem:$0x3FBB] =	sst s0  }
0x18: {  	s0 =	sld [smem:$0x3F9E];
	_ =	swait.ge [sflag:s4], $0x0  }
0x19: {  	s7 =	sld [smem:$0x3F9F]  }
0x1a: {  	s8 =	sadd.s32 $0xFFFFE003, lr  }
0x1b: {  	s9 =	sadd.s32 $0xFFFFFEF7, lr;
	s5 =	simm.s32 $0xFFFFFFFF;
	p2 =	slt.u32 s8, $0xFFFFF086  }
0x1c: {  	p1 =	slt.u32 s9, $0xF7A;
	s5 =	simm.s32 @!p2 $0x0  }
0x1d: {  	s5 =	simm.s32 @p1 $0x1;
	p0 =	seq.s32 s7, s2  }
0x1e: {  	s7 =	smul.u32 @!p0 $0xF7A, s2;
	p2 =	seq.s32 @!p0 s5, $0x0  }
0x1f: {  	s9 =	smul.u32 $0xF7A, s1;
	s8 =	simm.s32 @!p0 $0x1BF5;
	p2 =	por !p2, p0  }
0x20: {  	[sflag:s8] =	ssyncset.s32 @!p0 $0xFFFFF086;
	s6 =	sadd.s32 @!p0 s3, s7;
	s7 =	simm.s32 @!p0 $0x108  }
0x21: {  	s3 =	sadd.s32 s3, s9;
	s6 =	sadd.s32 @!p0 $0x88, s6;
	s7 =	simm.s32 @p2 $0x1082  }
0x22: {  	[simem:s7], [sflag:s8] =	dma.local @!p0 [hbm:s6], $0xF7A  }
0x23: {  	s9 =	sor.u32 $0xD0000000, s2;
	s6 =	simm.s32 $0x108;
	_ =	swait.ge @!p0 [sflag:s8], $0x0  }
0x24: {  	s3 =	sadd.s32 $0x88, s3;
	s6 =	simm.s32 @!p1 $0x1082;
	[sflag:s4] =	ssyncset.s32 $0xFFFFF086  }
0x25: {  	[simem:s6], [sflag:s4] =	dma.local [hbm:s3], $0xF7A  }
0x26: {  	[smem:$0x3F9F] =	sst s1;
	(tag) =	ssettag s2;
	_ =	strace s9  }
0x27: {  	s1 =	sld [smem:$0x3FAF]  }
0x28: {  	s2 =	sld [smem:$0x3FB0]  }
0x29: {  	s4 =	sld [smem:$0x3FB2]  }
0x2a: {  	p0 =	seq.s32 s5, $0x0;
	s5 =	sld [smem:$0x3FB3]  }
0x2b: {  	s6 =	sld [smem:$0x3FB4]  }
0x2c: {  	s7 =	sld [smem:$0x3FB5]  }
0x2d: {  	s3 =	simm.s32 $0x108;
	s8 =	sld [smem:$0x3FB6]  }
0x2e: {  	s3 =	simm.s32 @!p0 $0x1082;
	s9 =	sld [smem:$0x3FB7]  }
0x2f: {  	lr =	sadd.s32 s0, s3;
	s0 =	sld [smem:$0x3FAE]  }
0x30: {  	s3 =	sld [smem:$0x3FB1]  }
0x31: {  	[smem:$0x3FBA] =	sst s10  }
0x32: {  	s10 =	sld [smem:$0x3FB8];
	_ =	sdelay $0x3  }
0x33: {  	p0 =	seq.s32 s10, $0x1;
	s10 =	sld [smem:$0x3FBA];
	_ =	sdelay $0x3  }
0x34: {  	[smem:$0x3FBA] =	sst s10  }
0x35: {  	s10 =	sld [smem:$0x3FB9];
	_ =	sdelay $0x3  }
0x36: {  	p1 =	seq.s32 s10, $0x1;
	s10 =	sld [smem:$0x3FBA];
	_ =	sdelay $0x3  }
0x37: {  	[smem:$0x3FBA] =	sst s10  }
0x38: {  	s10 =	sld [smem:$0x3FBB]  }
0x39: {  	_ = 	snop;
	(pc) =	sbr.ind lr, $3  }
0x3a: {  	_ = 	snop  }
0x3b: {  	_ = 	snop  }
0x3c: {  	p2 =	seq.s32 s10, $0x1;
	s10 =	sld [smem:$0x3FBA]  }
0x3d: {  	_ =	shalt  }
0x3e: {  	_ =	shalt  }
0x3f: {  	_ =	shalt  }
0x40: {  	_ =	shalt  }
0x41: {  	_ =	shalt  }
0x42: {  	_ =	shalt  }
0x43: {  	_ =	shalt  }
0x44: {  	_ =	shalt  }
0x45: {  	_ =	shalt  }
0x46: {  	_ =	shalt  }
0x47: {  	_ =	shalt  }
0x48: {  	_ =	shalt  }
0x49: {  	_ =	shalt  }
0x4a: {  	_ =	shalt  }
0x4b: {  	_ =	shalt  }
0x4c: {  	_ =	shalt  }
0x4d: {  	_ =	shalt  }
0x4e: {  	_ =	shalt  }
0x4f: {  	_ =	shalt  }
0x50: {  	_ =	shalt  }
0x51: {  	_ =	shalt  }
0x52: {  	_ =	shalt  }
0x53: {  	_ =	shalt  }
0x54: {  	_ =	shalt  }
0x55: {  	_ =	shalt  }
0x56: {  	_ =	shalt  }
0x57: {  	_ =	shalt  }
0x58: {  	_ =	shalt  }
0x59: {  	_ =	shalt  }
0x5a: {  	_ =	shalt  }
0x5b: {  	_ =	shalt  }
0x5c: {  	_ =	shalt  }
0x5d: {  	_ =	shalt  }
0x5e: {  	_ =	shalt  }
0x5f: {  	_ =	shalt  }
0x60: {  	_ =	shalt  }
0x61: {  	_ =	shalt  }
0x62: {  	_ =	shalt  }
0x63: {  	_ =	shalt  }
0x64: {  	_ =	shalt  }
0x65: {  	_ =	shalt  }
0x66: {  	_ =	shalt  }
0x67: {  	_ =	shalt  }
0x68: {  	_ =	shalt  }
0x69: {  	_ =	shalt  }
0x6a: {  	_ =	shalt  }
0x6b: {  	_ =	shalt  }
0x6c: {  	_ =	shalt  }
0x6d: {  	_ =	shalt  }
0x6e: {  	_ =	shalt  }
0x6f: {  	_ =	shalt  }
0x70: {  	_ =	shalt  }
0x71: {  	_ =	shalt  }
0x72: {  	_ =	shalt  }
0x73: {  	_ =	shalt  }
0x74: {  	_ =	shalt  }
0x75: {  	_ =	shalt  }
0x76: {  	_ =	shalt  }
0x77: {  	_ =	shalt  }
0x78: {  	_ =	shalt  }
0x79: {  	_ =	shalt  }
0x7a: {  	_ =	shalt  }
0x7b: {  	_ =	shalt  }
0x7c: {  	_ =	shalt  }
0x7d: {  	_ =	shalt  }
0x7e: {  	_ =	shalt  }
0x7f: {  	_ =	shalt  }
0x80: {  	_ =	shalt  }
0x81: {  	_ =	shalt  }
0x82: {  	_ =	shalt  }
0x83: {  	_ =	shalt  }
0x84: {  	_ =	shalt  }
0x85: {  	_ =	shalt  }
0x86: {  	_ =	shalt  }
0x87: {  	_ =	shalt  }
.Lfunc_end0:
.L_simem_size_0:
called_computation.1_lowered:
.L_overlay_start_0:
0x88: {  	s2 =	sld [smem:$0x3FD9]  }
0x89: {  	s3 =	sld [smem:$0x3FFE];
	_ =	sdelay $0x1  }
0x8a: {  	s1 =	srdreg.scid  }
0x8b: {  	s0 =	sand.u32 $0x1, s1  }
0x8c: {  	s14 =	sshll.u32 s0, $0xA;
	s2 =	sadd.s32 s3, s2  }
0x8d: {  	s2 =	sadd.s32 s2, s14  }
0x8e: {  	[smem:$0x3FC6] =	sst s2  }
0x8f: {  	_ = 	snop  }
0x90: {  	s2 =	sld [smem:$0x3FD0];
	_ =	sdelay $0x2  }
0x91: {  	s15 =	simm.s32 $0xA;
	s4 =	simm.s32 $0x10  }
0x92: {  	[smem:s4], [sflag:s15] =	dma.local [hbm:s2], $0x1  }
0x93: {  	_ =	swait.eq [sflag:s15], $0x1  }
0x94: {  	[sflag:s15] =	ssyncset.done $0x0  }
0x95: {  	[sflag:s15] =	ssyncadd.s32 $0xFFFFFFFF  }
0x96: {  	s16 =	sld [smem:$0x10];
	(tm) =	ssettm $0x1  }
0x97: {  	s17 =	sld [smem:$0x3FFB];
	_ =	sdelay $0x3  }
0x98: {  	_ =	strace s17  }
0x99: {  	s3 =	sld [smem:$0x3FFC];
	_ =	sdelay $0x3  }
0x9a: {  	_ =	strace s3  }
0x9b: {  	s3 =	sld [smem:$0x3FFD];
	_ =	sdelay $0x3  }
0x9c: {  	_ =	strace s3  }
0x9d: {  	_ =	strace $0x8FFFFFFF  }
0x9e: {  	s18 =	sld [smem:$0x3FDB];
	_ =	sdelay $0x1  }
0x9f: {  	s19 =	simm.s32 $_scs_section_size  }
0xa0: {  	s5 =	simm.s32 $_size__tile_overlayer_lowered;
	s6 =	simm.s32 $_tile_overlayer_lowered  }
0xa1: {  	s22 =	simm.s32 $0x1BFF;
	s21 =	sshll.u32 s6, $0x1;
	s3 =	sadd.s32 s19, s18  }
0xa2: {  	s7 =	simm.s32 $0x0;
	s20 =	sshll.u32 s5, $0x1;
	s5 =	sadd.s32 s21, s3  }
0xa3: {  	[timem:s7], [sflag:s22] =	dma.local [hbm:s5], s20  }
0xa4: {  	_ =	swait.ge [sflag:s22], s20  }
0xa5: {  	s4 =	ssub.s32 $0x0, s20;
	[sflag:s22] =	ssyncset.done $0x0  }
0xa6: {  	[sflag:s22] =	ssyncadd.s32 s4;
	_ =	sdelay $0x1  }
0xa7: {  	s23 =	simm.s32 $0x1B8B  }
0xa8: {  	_ =	swait.ge [sflag:s23], $0x1  }
0xa9: {  	[sflag:s23] =	ssyncset.done $0x0  }
0xaa: {  	s25 =	simm.s32 $0x1B8E;
	s24 =	sld [smem:$0x3FFE];
	[sflag:s23] =	ssyncadd.s32 $0xFFFFFFFF  }
0xab: {  	s26 =	simm.s32 $execute0_lowered;
	[smem:$0x3FD2] =	sst s25  }
0xac: {  	s5 =	sshll.u32 s26, $0x1;
	_ =	strace $0x80000049;
	[dreg:$0x1] =	wrdreg $0xFFFFFFFF  }
0xad: {  	s28 =	simm.s32 $_size_execute0_lowered;
	s3 =	sadd.s32 s3, s5;
	[dreg:$0x0] =	wrdreg $0x0  }
0xae: {  	s5 =	sshll.u32 s28, $0x1;
	[dreg:$0x2] =	wrdreg s3  }
0xaf: {  	[dreg:$0x3] =	wrdreg s5  }
0xb0: {  	[dreg:$0x4] =	wrdreg $0xC0  }
0xb1: {  	_ =	task [dreg:s7], $0x5FFFF  }
0xb2: {  	[dreg:$0x1] =	wrdreg $0xFFFFFFFF  }
0xb3: {  	[dreg:$0x0] =	wrdreg $0x60  }
0xb4: {  	[dreg:$0x2] =	wrdreg s24  }
0xb5: {  	[dreg:$0x3] =	wrdreg s16  }
0xb6: {  	[dreg:$0x4] =	wrdreg $0x9  }
0xb7: {  	_ =	task.clear_ibuf [dreg:s7], $0x5FFFF;
	_ =	strace $0x90000049  }
0xb8: {  	s29 =	simm.s32 $0x9;
	_ =	strace $0x8000004B  }
0xb9: {  	_ =	swait.ge [sflag:s29], $0x1  }
0xba: {  	[sflag:s29] =	ssyncadd.s32 $0xFFFFFFFF  }
0xbb: {  	_ =	strace $0x9000004B  }
0xbc: {  	_ =	sfence  }
0xbd: {  	s30 =	sld [smem:$0x0];
	_ =	sdelay $0x2  }
0xbe: {  	s31 =	sshll.u32 s1, $0xD;
	s1 =	sshrl.u32 s1, $0x2  }
0xbf: {  	s3 =	sand.u32 $0x4000, s31;
	s1 =	sadd.s32 s1, s30  }
0xc0: {  	s0 =	sor.u32 s3, s0;
	s1 =	sshll.u32 s1, $0x11  }
0xc1: {  	s0 =	sor.u32 s1, s0  }
0xc2: {  	s0 =	sadd.s32 $0x8F2B, s0  }
0xc3: {  	[sflag:s0] =	ssyncadd.remote.s32 $0x1  }
0xc4: {  	_ =	sfence.sel $0xFFFF  }
0xc5: {  	[dreg:$0x0] =	wrdreg $0xFFFFFFFF;
	(pc) =	sbr.abs _section_cstart, $3  }
0xc6: {  	[dreg:$0x1] =	wrdreg $0xFFFFFFFF  }
0xc7: {  	_ =	task.clear_ibuf [dreg:s7], $0x2FFFF;
	_ =	strace $0x9FFFFFFF  }
0xc8: {  	(tm) =	ssettm $0x7FFFFFFF  }
0xc9: {  	_ =	shalt  }
tec
execute0_lowered:
.L_overlay_start_1:
0x0: {  	(tag) =	ssettag $0x1  }
0x1: {  	s0 =	srdreg.scid;
	s1 =	rddreg [dreg:$0x0]  }
0x2: {  	s8 =	stileid.u32;
	s6 =	rddreg [dreg:$0x1]  }
0x3: {  	s15 =	simm.s32 $0x880;
	s16 =	simm.s32 $0x1080;
	s17 =	simm.s32 $0x1880  }
0x4: {  	s18 =	simm.s32 $0x2080;
	s19 =	simm.s32 $0x2880;
	s20 =	simm.s32 $0x3080  }
0x5: {  	s22 =	simm.s32 $0x3880;
	s23 =	simm.s32 $0x4080;
	s0 =	sand.u32 $0x1, s0  }
0x6: {  	s24 =	simm.s32 $0x4880;
	s2 =	sshll.u32 s8, $0xC;
	s3 =	sshll.u32 s0, $0xB  }
0x7: {  	s25 =	simm.s32 $0x5080;
	s3 =	sor.u32 s3, s2;
	s2 =	simm.s32 $0x0  }
0x8: {  	s26 =	simm.s32 $0x5880;
	s9 =	simm.s32 $0x6080;
	[smem:$0x7FF] =	sst s2  }
0x9: {  	s10 =	simm.s32 $0x6880;
	_ =	strace $0x8000004A;
	[dreg:$0x4] =	wrdreg s15  }
0xa: {  	s11 =	simm.s32 $0x7080;
	s12 =	simm.s32 $0x7880;
	[dreg:$0x5] =	wrdreg s16  }
0xb: {  	s13 =	simm.s32 $0x8080;
	s14 =	simm.s32 $0x8880;
	[dreg:$0x6] =	wrdreg s17  }
0xc: {  	s28 =	simm.s32 $0xF080;
	s29 =	simm.s32 $0xF880;
	[dreg:$0x7] =	wrdreg s18  }
0xd: {  	s30 =	simm.s32 $0x1;
	s31 =	simm.s32 $0x0;
	[dreg:$0x8] =	wrdreg s19  }
0xe: {  	s21 =	sshll.u32 s8, $0x12;
	s5 =	ssub.s32 $0x2, s0;
	[dreg:$0x9] =	wrdreg s20  }
0xf: {  	s6 =	sadd.s32 s21, s6;
	s0 =	sshll.u32 s0, $0x11;
	[dreg:$0xa] =	wrdreg s22  }
0x10: {  	s8 =	simm.s32 $0x80;
	s0 =	sadd.s32 s0, s6;
	[dreg:$0xb] =	wrdreg s23  }
0x11: {  	s21 =	simm.s32 $0xC080;
	s7 =	sshrl.u32 s5, $0x1;
	[dreg:$0x10] =	wrdreg s0  }
0x12: {  	s3 =	sshrl.u32 s3, $0x3;
	s5 =	ssub.s32 s5, s7;
	[dreg:$0xc] =	wrdreg s24  }
0x13: {  	s7 =	simm.s32 $0x2;
	s3 =	sadd.s32 s3, s1;
	[dreg:$0xd] =	wrdreg s25  }
0x14: {  	s5 =	smax.u32 s5, $0x1;
	[dreg:$0xe] =	wrdreg s26;
	s15 =	simm.s32 $0x9080  }
0x15: {  	s16 =	simm.s32 $0x9880;
	s17 =	simm.s32 $0xA080;
	s18 =	simm.s32 $0xA880  }
0x16: {  	s19 =	simm.s32 $0xB080;
	s20 =	simm.s32 $0xB880;
	s22 =	simm.s32 $0xC880  }
0x17: {  	v2 =	vlaneseq.u32;
	s23 =	simm.s32 $0xD080;
	s24 =	simm.s32 $0xD880;
	s25 =	simm.s32 $0xE080  }
0x18: {  	vm0 =	vmmov $0xffff;
	v1 =	vshrl.u32 v2, $0x3;
	s26 =	simm.s32 $0xE880;
	s4 =	sadd.s32 $0x10A00, s3;
	[dreg:$0xf] =	wrdreg s5  }
0x19: {  	v0 =	vand.u32 $0x7, v2;
	v2 =	vor.u32 $0x8, v2;
	v1 =	vmul.u32 $0x8, v1;
	s3 =	sadd.s32 $0x61B200, s1;
	[dreg:$0x3] =	wrdreg s4;
	s4 =	sadd.s32 $0x61B300, s1  }
.LBB2_1:
0x1a: {  	s6 =	rddreg [dreg:$0x10];
	s0 =	simm.s32 $0x0  }
.LBB2_2:
0x1b: {  	s5 =	rddreg [dreg:$0x3]  }
0x1c: {  	s5 =	sadd.s32 s0, s5  }
0x1d: {  	[tilespmem:s2], [sflag:$0x2] =	stream.linear.gather [hbm4b:s5+s2], $0x80, $0x38;
	[tilespmem:$0x10080] =	vst v63  }
0x1e: {  	_ =	swait.ge [sflag:s7], $0x80  }
0x1f: {  	[sflag:s7] =	ssyncset.done $0x0  }
0x20: {  	[sflag:s7] =	ssyncadd.s32 $0xFFFFFF80  }
0x21: {  	v3 =	vld [tilespmem:$0x0];
	_ =	sdelay $0x4  }
0x22: {  	v4 =	vshll.u32 v3, $0x2  }
0x23: {  	v3 =	vand.u32 $0x7, v3;
	v4 =	vand.u32 $0xFFFFFFE0, v4  }
0x24: {  	v3 =	vor.u32 v3, v4  }
0x25: {  	v4 =	vperm.xlane v3, v0;
	_ =	sdelay $0x1  }
0x26: {  	v4 =	vadd.s32 v1, v4;
	_ =	sdelay $0x1  }
0x27: {  	v3 =	vperm.xlane v3, v2;
	_ =	sdelay $0x1  }
0x28: {  	v3 =	vadd.s32 v1, v3  }
0x29: {  	[tilespmem:s8], [sflag:$0x1] =	stream.indirect_vreg.gather [hbm4b:s3+s2], $0x80, v4, vm0, $0xb8;
	[tilespmem:$0x10080] =	vst v63  }
0x2a: {  	s5 =	rddreg [dreg:$0x4]  }
0x2b: {  	[tilespmem:s5], [sflag:$0x1] =	stream.indirect_vreg.gather [hbm4b:s4+s2], $0x80, v4, vm0, $0xb8;
	[tilespmem:$0x10080] =	vst v63  }
0x2c: {  	s1 =	rddreg [dreg:$0x5]  }
0x2d: {  	[tilespmem:s1], [sflag:$0x1] =	stream.indirect_vreg.gather [hbm4b:s3+s2], $0x80, v3, vm0, $0xb8;
	[tilespmem:$0x10080] =	vst v63  }
0x2e: {  	s5 =	rddreg [dreg:$0x6]  }
0x2f: {  	[tilespmem:s5], [sflag:$0x1] =	stream.indirect_vreg.gather [hbm4b:s4+s2], $0x80, v3, vm0, $0xb8;
	[tilespmem:$0x10080] =	vst v63  }
0x30: {  	v3 =	vld [tilespmem:$0x10];
	_ =	sdelay $0x4  }
0x31: {  	v57 =	vshll.u32 v3, $0x2  }
0x32: {  	v3 =	vand.u32 $0x7, v3;
	v4 =	vand.u32 $0xFFFFFFE0, v57  }
0x33: {  	v3 =	vor.u32 v3, v4  }
0x34: {  	v4 =	vperm.xlane v3, v0;
	_ =	sdelay $0x1  }
0x35: {  	v4 =	vadd.s32 v1, v4;
	_ =	sdelay $0x1  }
0x36: {  	v3 =	vperm.xlane v3, v2;
	_ =	sdelay $0x1  }
0x37: {  	s1 =	rddreg [dreg:$0x7];
	v3 =	vadd.s32 v1, v3  }
0x38: {  	[tilespmem:s1], [sflag:$0x1] =	stream.indirect_vreg.gather [hbm4b:s3+s2], $0x80, v4, vm0, $0xb8;
	[tilespmem:$0x10080] =	vst v63  }
0x39: {  	s5 =	rddreg [dreg:$0x8]  }
0x3a: {  	[tilespmem:s5], [sflag:$0x1] =	stream.indirect_vreg.gather [hbm4b:s4+s2], $0x80, v4, vm0, $0xb8;
	[tilespmem:$0x10080] =	vst v63  }
0x3b: {  	s1 =	rddreg [dreg:$0x9]  }
0x3c: {  	[tilespmem:s1], [sflag:$0x1] =	stream.indirect_vreg.gather [hbm4b:s3+s2], $0x80, v3, vm0, $0xb8;
	[tilespmem:$0x10080] =	vst v63  }
0x3d: {  	s5 =	rddreg [dreg:$0xa]  }
0x3e: {  	[tilespmem:s5], [sflag:$0x1] =	stream.indirect_vreg.gather [hbm4b:s4+s2], $0x80, v3, vm0, $0xb8;
	[tilespmem:$0x10080] =	vst v63  }
0x3f: {  	v3 =	vld [tilespmem:$0x20];
	_ =	sdelay $0x4  }
0x40: {  	v58 =	vshll.u32 v3, $0x2  }
0x41: {  	v3 =	vand.u32 $0x7, v3;
	v4 =	vand.u32 $0xFFFFFFE0, v58  }
0x42: {  	v3 =	vor.u32 v3, v4  }
0x43: {  	v4 =	vperm.xlane v3, v0;
	_ =	sdelay $0x1  }
0x44: {  	v4 =	vadd.s32 v1, v4;
	_ =	sdelay $0x1  }
0x45: {  	v3 =	vperm.xlane v3, v2;
	_ =	sdelay $0x1  }
0x46: {  	s1 =	rddreg [dreg:$0xb];
	v3 =	vadd.s32 v1, v3  }
0x47: {  	[tilespmem:s1], [sflag:$0x1] =	stream.indirect_vreg.gather [hbm4b:s3+s2], $0x80, v4, vm0, $0xb8;
	[tilespmem:$0x10080] =	vst v63  }
0x48: {  	s5 =	rddreg [dreg:$0xc]  }
0x49: {  	[tilespmem:s5], [sflag:$0x1] =	stream.indirect_vreg.gather [hbm4b:s4+s2], $0x80, v4, vm0, $0xb8;
	[tilespmem:$0x10080] =	vst v63  }
0x4a: {  	s1 =	rddreg [dreg:$0xd]  }
0x4b: {  	[tilespmem:s1], [sflag:$0x1] =	stream.indirect_vreg.gather [hbm4b:s3+s2], $0x80, v3, vm0, $0xb8;
	[tilespmem:$0x10080] =	vst v63  }
0x4c: {  	s5 =	rddreg [dreg:$0xe]  }
0x4d: {  	[tilespmem:s5], [sflag:$0x1] =	stream.indirect_vreg.gather [hbm4b:s4+s2], $0x80, v3, vm0, $0xb8;
	[tilespmem:$0x10080] =	vst v63  }
0x4e: {  	v3 =	vld [tilespmem:$0x30];
	_ =	sdelay $0x4  }
0x4f: {  	v59 =	vshll.u32 v3, $0x2  }
0x50: {  	v3 =	vand.u32 $0x7, v3;
	v4 =	vand.u32 $0xFFFFFFE0, v59  }
0x51: {  	v3 =	vor.u32 v3, v4  }
0x52: {  	v4 =	vperm.xlane v3, v0;
	_ =	sdelay $0x1  }
0x53: {  	v4 =	vadd.s32 v1, v4;
	_ =	sdelay $0x1  }
0x54: {  	v3 =	vperm.xlane v3, v2;
	_ =	sdelay $0x1  }
0x55: {  	v3 =	vadd.s32 v1, v3  }
0x56: {  	[tilespmem:s9], [sflag:$0x1] =	stream.indirect_vreg.gather [hbm4b:s3+s2], $0x80, v4, vm0, $0xb8;
	[tilespmem:$0x10080] =	vst v63  }
0x57: {  	_ = 	snop  }
0x58: {  	[tilespmem:s10], [sflag:$0x1] =	stream.indirect_vreg.gather [hbm4b:s4+s2], $0x80, v4, vm0, $0xb8;
	[tilespmem:$0x10080] =	vst v63  }
0x59: {  	_ = 	snop  }
0x5a: {  	[tilespmem:s11], [sflag:$0x1] =	stream.indirect_vreg.gather [hbm4b:s3+s2], $0x80, v3, vm0, $0xb8;
	[tilespmem:$0x10080] =	vst v63  }
0x5b: {  	_ = 	snop  }
0x5c: {  	[tilespmem:s12], [sflag:$0x1] =	stream.indirect_vreg.gather [hbm4b:s4+s2], $0x80, v3, vm0, $0xb8;
	[tilespmem:$0x10080] =	vst v63  }
0x5d: {  	v3 =	vld [tilespmem:$0x40];
	_ =	sdelay $0x4  }
0x5e: {  	v60 =	vshll.u32 v3, $0x2  }
0x5f: {  	v3 =	vand.u32 $0x7, v3;
	v4 =	vand.u32 $0xFFFFFFE0, v60  }
0x60: {  	v3 =	vor.u32 v3, v4  }
0x61: {  	v4 =	vperm.xlane v3, v0;
	_ =	sdelay $0x1  }
0x62: {  	v4 =	vadd.s32 v1, v4;
	_ =	sdelay $0x1  }
0x63: {  	v3 =	vperm.xlane v3, v2;
	_ =	sdelay $0x1  }
0x64: {  	v3 =	vadd.s32 v1, v3  }
0x65: {  	[tilespmem:s13], [sflag:$0x1] =	stream.indirect_vreg.gather [hbm4b:s3+s2], $0x80, v4, vm0, $0xb8;
	[tilespmem:$0x10080] =	vst v63  }
0x66: {  	_ = 	snop  }
0x67: {  	[tilespmem:s14], [sflag:$0x1] =	stream.indirect_vreg.gather [hbm4b:s4+s2], $0x80, v4, vm0, $0xb8;
	[tilespmem:$0x10080] =	vst v63  }
0x68: {  	_ = 	snop  }
0x69: {  	[tilespmem:s15], [sflag:$0x1] =	stream.indirect_vreg.gather [hbm4b:s3+s2], $0x80, v3, vm0, $0xb8;
	[tilespmem:$0x10080] =	vst v63  }
0x6a: {  	_ = 	snop  }
0x6b: {  	[tilespmem:s16], [sflag:$0x1] =	stream.indirect_vreg.gather [hbm4b:s4+s2], $0x80, v3, vm0, $0xb8;
	[tilespmem:$0x10080] =	vst v63  }
0x6c: {  	v3 =	vld [tilespmem:$0x50];
	_ =	sdelay $0x4  }
0x6d: {  	v61 =	vshll.u32 v3, $0x2  }
0x6e: {  	v3 =	vand.u32 $0x7, v3;
	v4 =	vand.u32 $0xFFFFFFE0, v61  }
0x6f: {  	v3 =	vor.u32 v3, v4  }
0x70: {  	v4 =	vperm.xlane v3, v0;
	_ =	sdelay $0x1  }
0x71: {  	v4 =	vadd.s32 v1, v4;
	_ =	sdelay $0x1  }
0x72: {  	v3 =	vperm.xlane v3, v2;
	_ =	sdelay $0x1  }
0x73: {  	v3 =	vadd.s32 v1, v3  }
0x74: {  	[tilespmem:s17], [sflag:$0x1] =	stream.indirect_vreg.gather [hbm4b:s3+s2], $0x80, v4, vm0, $0xb8;
	[tilespmem:$0x10080] =	vst v63  }
0x75: {  	_ = 	snop  }
0x76: {  	[tilespmem:s18], [sflag:$0x1] =	stream.indirect_vreg.gather [hbm4b:s4+s2], $0x80, v4, vm0, $0xb8;
	[tilespmem:$0x10080] =	vst v63  }
0x77: {  	_ = 	snop  }
0x78: {  	[tilespmem:s19], [sflag:$0x1] =	stream.indirect_vreg.gather [hbm4b:s3+s2], $0x80, v3, vm0, $0xb8;
	[tilespmem:$0x10080] =	vst v63  }
0x79: {  	_ = 	snop  }
0x7a: {  	[tilespmem:s20], [sflag:$0x1] =	stream.indirect_vreg.gather [hbm4b:s4+s2], $0x80, v3, vm0, $0xb8;
	[tilespmem:$0x10080] =	vst v63  }
0x7b: {  	v3 =	vld [tilespmem:$0x60];
	_ =	sdelay $0x4  }
0x7c: {  	v62 =	vshll.u32 v3, $0x2  }
0x7d: {  	v3 =	vand.u32 $0x7, v3;
	v4 =	vand.u32 $0xFFFFFFE0, v62  }
0x7e: {  	v3 =	vor.u32 v3, v4  }
0x7f: {  	v4 =	vperm.xlane v3, v0;
	_ =	sdelay $0x1  }
0x80: {  	v4 =	vadd.s32 v1, v4;
	_ =	sdelay $0x1  }
0x81: {  	v3 =	vperm.xlane v3, v2;
	_ =	sdelay $0x1  }
0x82: {  	v3 =	vadd.s32 v1, v3  }
0x83: {  	[tilespmem:s21], [sflag:$0x1] =	stream.indirect_vreg.gather [hbm4b:s3+s2], $0x80, v4, vm0, $0xb8;
	[tilespmem:$0x10080] =	vst v63  }
0x84: {  	_ = 	snop  }
0x85: {  	[tilespmem:s22], [sflag:$0x1] =	stream.indirect_vreg.gather [hbm4b:s4+s2], $0x80, v4, vm0, $0xb8;
	[tilespmem:$0x10080] =	vst v63  }
0x86: {  	_ = 	snop  }
0x87: {  	[tilespmem:s23], [sflag:$0x1] =	stream.indirect_vreg.gather [hbm4b:s3+s2], $0x80, v3, vm0, $0xb8;
	[tilespmem:$0x10080] =	vst v63  }
0x88: {  	_ = 	snop  }
0x89: {  	[tilespmem:s24], [sflag:$0x1] =	stream.indirect_vreg.gather [hbm4b:s4+s2], $0x80, v3, vm0, $0xb8;
	[tilespmem:$0x10080] =	vst v63  }
0x8a: {  	v3 =	vld [tilespmem:$0x70];
	_ =	sdelay $0x4  }
0x8b: {  	v63 =	vshll.u32 v3, $0x2  }
0x8c: {  	v3 =	vand.u32 $0x7, v3;
	v4 =	vand.u32 $0xFFFFFFE0, v63  }
0x8d: {  	v3 =	vor.u32 v3, v4  }
0x8e: {  	v4 =	vperm.xlane v3, v0;
	_ =	sdelay $0x1  }
0x8f: {  	v4 =	vadd.s32 v1, v4;
	_ =	sdelay $0x1  }
0x90: {  	v3 =	vperm.xlane v3, v2;
	_ =	sdelay $0x1  }
0x91: {  	v3 =	vadd.s32 v1, v3  }
0x92: {  	[tilespmem:s25], [sflag:$0x1] =	stream.indirect_vreg.gather [hbm4b:s3+s2], $0x80, v4, vm0, $0xb8;
	[tilespmem:$0x10080] =	vst v63  }
0x93: {  	_ = 	snop  }
0x94: {  	[tilespmem:s26], [sflag:$0x1] =	stream.indirect_vreg.gather [hbm4b:s4+s2], $0x80, v4, vm0, $0xb8;
	[tilespmem:$0x10080] =	vst v63  }
0x95: {  	_ = 	snop  }
0x96: {  	[tilespmem:s28], [sflag:$0x1] =	stream.indirect_vreg.gather [hbm4b:s3+s2], $0x80, v3, vm0, $0xb8;
	[tilespmem:$0x10080] =	vst v63  }
0x97: {  	_ = 	snop  }
0x98: {  	[tilespmem:s29], [sflag:$0x1] =	stream.indirect_vreg.gather [hbm4b:s4+s2], $0x80, v3, vm0, $0xb8;
	[tilespmem:$0x10080] =	vst v63  }
0x99: {  	_ =	swait.ge [sflag:s30], $0x10000  }
0x9a: {  	p0 =	sne.s32 s0, $0xF0;
	[sflag:s30] =	ssyncset.done $0x0  }
.Ltmp0:
0x9b: {  	[sflag:s30] =	ssyncadd.s32 $0xFFFF0000;
	(pc) =	sbr.rel @p0 .LBB2_2-.Ltmp0, $4  }
0x9c: {  	[hbm4b:s6+s2] =	stream.linear.scatter [tilespmem:s8], [sflag:$0x2], $0x10000, $0x38;
	[tilespmem:$0x10080] =	vst v63  }
0x9d: {  	_ =	swait.ge [sflag:s7], $0x10000  }
0x9e: {  	[sflag:s7] =	ssyncset.done $0x0  }
0x9f: {  	s0 =	sadd.s32 $0x10, s0;
	s6 =	sadd.s32 $0x2000, s6;
	[sflag:s7] =	ssyncadd.s32 $0xFFFF0000  }
0xa0: {  	s31 =	sadd.s32 $0x1, s31;
	s0 =	rddreg [dreg:$0xf]  }
0xa1: {  	p0 =	sne.s32 s31, s0  }
.Ltmp1:
0xa2: {  	_ = 	snop;
	(pc) =	sbr.rel @p0 .LBB2_1-.Ltmp1, $1  }
0xa3: {  	_ =	sdelay $0x3  }
0xa4: {  	_ =	sfence.sel $0x180000  }
0xa5: {  	[bflag:$0x0] =	sbarrier.arrive $0xFFFF  }
0xa6: {  	_ =	strace $0x9000004A  }
0xa7: {  	s0 =	stileid.u32;
	[bflag:$0x2] =	sbarrier.arrive $0xFFFF  }
0xa8: {  	p0 =	sne.s32 s0, $0x0;
	s0 =	rddreg [dreg:$0x2]  }
0xa9: {  	s0 =	sadd.s32 @!p0 $0x100000, s0  }
0xaa: {  	[sflag:s0] =	ssyncadd.tile.s32 @!p0 $0x1;
	_ =	shalt  }
.Lfunc_end2:
_tile_overlayer_lowered:
.L_overlay_start_2:
0xab: {  	(tag) =	ssettag $0x2  }
0xac: {  	s0 =	rddreg [dreg:$0x0];
	s2 =	stileid.u32  }
0xad: {  	s1 =	rddreg [dreg:$0x1];
	p0 =	sne.s32 s2, $0x0  }
0xae: {  	s3 =	rddreg [dreg:$0x2];
	[bflag:$0x3] =	sbarrier.arrive $0xFFFF;
	s2 =	simm.s32 @!p0 $0x1C02  }
0xaf: {  	[timem:s3], [sflag:s2] =	dma.local @!p0 [hbm:s0], s1  }
0xb0: {  	s0 =	simm.s32 @!p0 $0x2  }
0xb1: {  	_ =	swait.ge @!p0 [sflag:s0], s1  }
0xb2: {  	s1 =	ssub.s32 @!p0 $0x0, s1;
	[sflag:s0] =	ssyncset.done @!p0 $0x0  }
0xb3: {  	[sflag:s0] =	ssyncadd.s32 @!p0 s1  }
0xb4: {  	[bflag:$0x3] =	sbarrier.arrive $0xFFFF  }
0xb5: {  	_ =	shalt  }

// kernel: kernel.7.cloned.1.call-start
scs
__scs_entry_jumppad:
0x0: {  	(pc) =	sbr.rel $0x88, $3  }
0x1: {  	(tag) =	ssettag $0x0;
	lr =	simm.s32 $0x1  }
0x2: {  	[smem:$0x3F9F] =	sst lr;
	_ =	strace $0xD0000000  }
0x3: {  	_ = 	snop  }
0x4: {  	_ = 	snop  }
0x5: {  	_ = 	snop  }
0x6: {  	_ = 	snop  }
0x7: {  	_ = 	snop  }
__scs_overlays_trampoline_lowered:
0x8: {  	[smem:$0x3FAE] =	sst s0  }
0x9: {  	[smem:$0x3FAF] =	sst s1  }
0xa: {  	[smem:$0x3FB0] =	sst s2  }
0xb: {  	[smem:$0x3FB1] =	sst s3  }
0xc: {  	[smem:$0x3FB2] =	sst s4  }
0xd: {  	[smem:$0x3FB3] =	sst s5  }
0xe: {  	[smem:$0x3FB4] =	sst s6  }
0xf: {  	[smem:$0x3FB5] =	sst s7  }
0x10: {  	[smem:$0x3FB6] =	sst s8  }
0x11: {  	[smem:$0x3FB7] =	sst s9;
	s0 =	simm.s32 @!p0 $0x0  }
0x12: {  	s1 =	sld [smem:$0x3F9D];
	s0 =	simm.s32 @p0 $0x1  }
0x13: {  	[smem:$0x3FB8] =	sst s0;
	s0 =	simm.s32 @!p1 $0x0  }
0x14: {  	s2 =	sld [smem:$0x3F9C];
	s0 =	simm.s32 @p1 $0x1  }
0x15: {  	[smem:$0x3FB9] =	sst s0;
	s0 =	simm.s32 @!p2 $0x0  }
0x16: {  	s3 =	sld [smem:$0x3FDB];
	s0 =	simm.s32 @p2 $0x1  }
0x17: {  	s4 =	simm.s32 $0x1BF5;
	[smem:$0x3FBB] =	sst s0  }
0x18: {  	s0 =	sld [smem:$0x3F9E];
	_ =	swait.ge [sflag:s4], $0x0  }
0x19: {  	s7 =	sld [smem:$0x3F9F]  }
0x1a: {  	s8 =	sadd.s32 $0xFFFFE003, lr  }
0x1b: {  	s9 =	sadd.s32 $0xFFFFFEF7, lr;
	s5 =	simm.s32 $0xFFFFFFFF;
	p2 =	slt.u32 s8, $0xFFFFF086  }
0x1c: {  	p1 =	slt.u32 s9, $0xF7A;
	s5 =	simm.s32 @!p2 $0x0  }
0x1d: {  	s5 =	simm.s32 @p1 $0x1;
	p0 =	seq.s32 s7, s2  }
0x1e: {  	s7 =	smul.u32 @!p0 $0xF7A, s2;
	p2 =	seq.s32 @!p0 s5, $0x0  }
0x1f: {  	s9 =	smul.u32 $0xF7A, s1;
	s8 =	simm.s32 @!p0 $0x1BF5;
	p2 =	por !p2, p0  }
0x20: {  	[sflag:s8] =	ssyncset.s32 @!p0 $0xFFFFF086;
	s6 =	sadd.s32 @!p0 s3, s7;
	s7 =	simm.s32 @!p0 $0x108  }
0x21: {  	s3 =	sadd.s32 s3, s9;
	s6 =	sadd.s32 @!p0 $0x88, s6;
	s7 =	simm.s32 @p2 $0x1082  }
0x22: {  	[simem:s7], [sflag:s8] =	dma.local @!p0 [hbm:s6], $0xF7A  }
0x23: {  	s9 =	sor.u32 $0xD0000000, s2;
	s6 =	simm.s32 $0x108;
	_ =	swait.ge @!p0 [sflag:s8], $0x0  }
0x24: {  	s3 =	sadd.s32 $0x88, s3;
	s6 =	simm.s32 @!p1 $0x1082;
	[sflag:s4] =	ssyncset.s32 $0xFFFFF086  }
0x25: {  	[simem:s6], [sflag:s4] =	dma.local [hbm:s3], $0xF7A  }
0x26: {  	[smem:$0x3F9F] =	sst s1;
	(tag) =	ssettag s2;
	_ =	strace s9  }
0x27: {  	s1 =	sld [smem:$0x3FAF]  }
0x28: {  	s2 =	sld [smem:$0x3FB0]  }
0x29: {  	s4 =	sld [smem:$0x3FB2]  }
0x2a: {  	p0 =	seq.s32 s5, $0x0;
	s5 =	sld [smem:$0x3FB3]  }
0x2b: {  	s6 =	sld [smem:$0x3FB4]  }
0x2c: {  	s7 =	sld [smem:$0x3FB5]  }
0x2d: {  	s3 =	simm.s32 $0x108;
	s8 =	sld [smem:$0x3FB6]  }
0x2e: {  	s3 =	simm.s32 @!p0 $0x1082;
	s9 =	sld [smem:$0x3FB7]  }
0x2f: {  	lr =	sadd.s32 s0, s3;
	s0 =	sld [smem:$0x3FAE]  }
0x30: {  	s3 =	sld [smem:$0x3FB1]  }
0x31: {  	[smem:$0x3FBA] =	sst s10  }
0x32: {  	s10 =	sld [smem:$0x3FB8];
	_ =	sdelay $0x3  }
0x33: {  	p0 =	seq.s32 s10, $0x1;
	s10 =	sld [smem:$0x3FBA];
	_ =	sdelay $0x3  }
0x34: {  	[smem:$0x3FBA] =	sst s10  }
0x35: {  	s10 =	sld [smem:$0x3FB9];
	_ =	sdelay $0x3  }
0x36: {  	p1 =	seq.s32 s10, $0x1;
	s10 =	sld [smem:$0x3FBA];
	_ =	sdelay $0x3  }
0x37: {  	[smem:$0x3FBA] =	sst s10  }
0x38: {  	s10 =	sld [smem:$0x3FBB]  }
0x39: {  	_ = 	snop;
	(pc) =	sbr.ind lr, $3  }
0x3a: {  	_ = 	snop  }
0x3b: {  	_ = 	snop  }
0x3c: {  	p2 =	seq.s32 s10, $0x1;
	s10 =	sld [smem:$0x3FBA]  }
0x3d: {  	_ =	shalt  }
0x3e: {  	_ =	shalt  }
0x3f: {  	_ =	shalt  }
0x40: {  	_ =	shalt  }
0x41: {  	_ =	shalt  }
0x42: {  	_ =	shalt  }
0x43: {  	_ =	shalt  }
0x44: {  	_ =	shalt  }
0x45: {  	_ =	shalt  }
0x46: {  	_ =	shalt  }
0x47: {  	_ =	shalt  }
0x48: {  	_ =	shalt  }
0x49: {  	_ =	shalt  }
0x4a: {  	_ =	shalt  }
0x4b: {  	_ =	shalt  }
0x4c: {  	_ =	shalt  }
0x4d: {  	_ =	shalt  }
0x4e: {  	_ =	shalt  }
0x4f: {  	_ =	shalt  }
0x50: {  	_ =	shalt  }
0x51: {  	_ =	shalt  }
0x52: {  	_ =	shalt  }
0x53: {  	_ =	shalt  }
0x54: {  	_ =	shalt  }
0x55: {  	_ =	shalt  }
0x56: {  	_ =	shalt  }
0x57: {  	_ =	shalt  }
0x58: {  	_ =	shalt  }
0x59: {  	_ =	shalt  }
0x5a: {  	_ =	shalt  }
0x5b: {  	_ =	shalt  }
0x5c: {  	_ =	shalt  }
0x5d: {  	_ =	shalt  }
0x5e: {  	_ =	shalt  }
0x5f: {  	_ =	shalt  }
0x60: {  	_ =	shalt  }
0x61: {  	_ =	shalt  }
0x62: {  	_ =	shalt  }
0x63: {  	_ =	shalt  }
0x64: {  	_ =	shalt  }
0x65: {  	_ =	shalt  }
0x66: {  	_ =	shalt  }
0x67: {  	_ =	shalt  }
0x68: {  	_ =	shalt  }
0x69: {  	_ =	shalt  }
0x6a: {  	_ =	shalt  }
0x6b: {  	_ =	shalt  }
0x6c: {  	_ =	shalt  }
0x6d: {  	_ =	shalt  }
0x6e: {  	_ =	shalt  }
0x6f: {  	_ =	shalt  }
0x70: {  	_ =	shalt  }
0x71: {  	_ =	shalt  }
0x72: {  	_ =	shalt  }
0x73: {  	_ =	shalt  }
0x74: {  	_ =	shalt  }
0x75: {  	_ =	shalt  }
0x76: {  	_ =	shalt  }
0x77: {  	_ =	shalt  }
0x78: {  	_ =	shalt  }
0x79: {  	_ =	shalt  }
0x7a: {  	_ =	shalt  }
0x7b: {  	_ =	shalt  }
0x7c: {  	_ =	shalt  }
0x7d: {  	_ =	shalt  }
0x7e: {  	_ =	shalt  }
0x7f: {  	_ =	shalt  }
0x80: {  	_ =	shalt  }
0x81: {  	_ =	shalt  }
0x82: {  	_ =	shalt  }
0x83: {  	_ =	shalt  }
0x84: {  	_ =	shalt  }
0x85: {  	_ =	shalt  }
0x86: {  	_ =	shalt  }
0x87: {  	_ =	shalt  }
.Lfunc_end0:
.L_simem_size_0:
called_computation_lowered:
.L_overlay_start_0:
0x88: {  	s2 =	sld [smem:$0x3FD9]  }
0x89: {  	s3 =	sld [smem:$0x3FFE];
	_ =	sdelay $0x1  }
0x8a: {  	s1 =	srdreg.scid  }
0x8b: {  	s0 =	sand.u32 $0x1, s1  }
0x8c: {  	s14 =	sshll.u32 s0, $0xA;
	s2 =	sadd.s32 s3, s2  }
0x8d: {  	s2 =	sadd.s32 s2, s14  }
0x8e: {  	[smem:$0x3FC6] =	sst s2  }
0x8f: {  	_ = 	snop  }
0x90: {  	s2 =	sld [smem:$0x3FD0];
	_ =	sdelay $0x2  }
0x91: {  	s15 =	simm.s32 $0xA;
	s4 =	simm.s32 $0x10  }
0x92: {  	[smem:s4], [sflag:s15] =	dma.local [hbm:s2], $0x1  }
0x93: {  	_ =	swait.eq [sflag:s15], $0x1  }
0x94: {  	[sflag:s15] =	ssyncset.done $0x0  }
0x95: {  	[sflag:s15] =	ssyncadd.s32 $0xFFFFFFFF  }
0x96: {  	s16 =	sld [smem:$0x11];
	(tm) =	ssettm $0x1  }
0x97: {  	s17 =	sld [smem:$0x3FFB];
	_ =	sdelay $0x3  }
0x98: {  	_ =	strace s17  }
0x99: {  	s3 =	sld [smem:$0x3FFC];
	_ =	sdelay $0x3  }
0x9a: {  	_ =	strace s3  }
0x9b: {  	s3 =	sld [smem:$0x3FFD];
	_ =	sdelay $0x3  }
0x9c: {  	_ =	strace s3  }
0x9d: {  	_ =	strace $0x8FFFFFFF  }
0x9e: {  	s18 =	sld [smem:$0x3FDB];
	_ =	sdelay $0x1  }
0x9f: {  	s19 =	simm.s32 $_scs_section_size  }
0xa0: {  	s5 =	simm.s32 $_size__tile_overlayer_lowered;
	s6 =	simm.s32 $_tile_overlayer_lowered  }
0xa1: {  	s22 =	simm.s32 $0x1BFF;
	s21 =	sshll.u32 s6, $0x1;
	s3 =	sadd.s32 s19, s18  }
0xa2: {  	s7 =	simm.s32 $0x0;
	s20 =	sshll.u32 s5, $0x1;
	s5 =	sadd.s32 s21, s3  }
0xa3: {  	[timem:s7], [sflag:s22] =	dma.local [hbm:s5], s20  }
0xa4: {  	_ =	swait.ge [sflag:s22], s20  }
0xa5: {  	s4 =	ssub.s32 $0x0, s20;
	[sflag:s22] =	ssyncset.done $0x0  }
0xa6: {  	[sflag:s22] =	ssyncadd.s32 s4;
	_ =	sdelay $0x1  }
0xa7: {  	s23 =	simm.s32 $0x1B8B  }
0xa8: {  	_ =	swait.ge [sflag:s23], $0x1  }
0xa9: {  	[sflag:s23] =	ssyncset.done $0x0  }
0xaa: {  	s25 =	simm.s32 $0x1B8E;
	s24 =	sld [smem:$0x3FFE];
	[sflag:s23] =	ssyncadd.s32 $0xFFFFFFFF  }
0xab: {  	s26 =	simm.s32 $execute0_lowered;
	[smem:$0x3FD2] =	sst s25  }
0xac: {  	s5 =	sshll.u32 s26, $0x1;
	_ =	strace $0x80000046;
	[dreg:$0x1] =	wrdreg $0xFFFFFFFF  }
0xad: {  	s28 =	simm.s32 $_size_execute0_lowered;
	s3 =	sadd.s32 s3, s5;
	[dreg:$0x0] =	wrdreg $0x0  }
0xae: {  	s5 =	sshll.u32 s28, $0x1;
	[dreg:$0x2] =	wrdreg s3  }
0xaf: {  	[dreg:$0x3] =	wrdreg s5  }
0xb0: {  	[dreg:$0x4] =	wrdreg $0xC0  }
0xb1: {  	_ =	task [dreg:s7], $0x5FFFF  }
0xb2: {  	[dreg:$0x1] =	wrdreg $0xFFFFFFFF  }
0xb3: {  	[dreg:$0x0] =	wrdreg $0x60  }
0xb4: {  	[dreg:$0x2] =	wrdreg s24  }
0xb5: {  	[dreg:$0x3] =	wrdreg s16  }
0xb6: {  	[dreg:$0x4] =	wrdreg $0x9  }
0xb7: {  	_ =	task.clear_ibuf [dreg:s7], $0x5FFFF;
	_ =	strace $0x90000046  }
0xb8: {  	s29 =	simm.s32 $0x9;
	_ =	strace $0x80000048  }
0xb9: {  	_ =	swait.ge [sflag:s29], $0x1  }
0xba: {  	[sflag:s29] =	ssyncadd.s32 $0xFFFFFFFF  }
0xbb: {  	_ =	strace $0x90000048  }
0xbc: {  	_ =	sfence  }
0xbd: {  	s30 =	sld [smem:$0x0];
	_ =	sdelay $0x2  }
0xbe: {  	s31 =	sshll.u32 s1, $0xD;
	s1 =	sshrl.u32 s1, $0x2  }
0xbf: {  	s3 =	sand.u32 $0x4000, s31;
	s1 =	sadd.s32 s1, s30  }
0xc0: {  	s0 =	sor.u32 s3, s0;
	s1 =	sshll.u32 s1, $0x11  }
0xc1: {  	s0 =	sor.u32 s1, s0  }
0xc2: {  	s0 =	sadd.s32 $0x8F2B, s0  }
0xc3: {  	[sflag:s0] =	ssyncadd.remote.s32 $0x1  }
0xc4: {  	_ =	sfence.sel $0xFFFF  }
0xc5: {  	[dreg:$0x0] =	wrdreg $0xFFFFFFFF;
	(pc) =	sbr.abs _section_cstart, $3  }
0xc6: {  	[dreg:$0x1] =	wrdreg $0xFFFFFFFF  }
0xc7: {  	_ =	task.clear_ibuf [dreg:s7], $0x2FFFF;
	_ =	strace $0x9FFFFFFF  }
0xc8: {  	(tm) =	ssettm $0x7FFFFFFF  }
0xc9: {  	_ =	shalt  }
tec
execute0_lowered:
.L_overlay_start_1:
0x0: {  	(tag) =	ssettag $0x1  }
0x1: {  	s1 =	srdreg.scid  }
0x2: {  	s8 =	rddreg [dreg:$0x0];
	s0 =	stileid.u32;
	s14 =	sand.u32 $0x1, s1  }
0x3: {  	s13 =	rddreg [dreg:$0x1];
	s3 =	sshll.u32 s0, $0xC;
	s4 =	sshll.u32 s14, $0xB  }
0x4: {  	s2 =	simm.s32 $0x0;
	s1 =	rddreg [dreg:$0x2];
	s15 =	sor.u32 s4, s3  }
0x5: {  	[smem:$0x7FF] =	sst s2;
	s3 =	sshrl.u32 s15, $0x3  }
0x6: {  	_ =	strace $0x80000047;
	s4 =	sadd.s32 s13, s3;
	s3 =	simm.s32 $0x2  }
0x7: {  	[tilespmem:s2], [sflag:$0x2] =	stream.linear.gather [hbm4b:s4+s2], $0x200, $0x38;
	[tilespmem:$0x10200] =	vst v63  }
0x8: {  	_ =	swait.ge [sflag:s3], $0x200  }
0x9: {  	s6 =	simm.s32 $0x200;
	[sflag:s3] =	ssyncset.done $0x0  }
0xa: {  	s7 =	simm.s32 $0x1;
	s5 =	sadd.s32 $0x3D3B200, s8;
	[sflag:s3] =	ssyncadd.s32 $0xFFFFFE00  }
0xb: {  	[tilespmem:s6], [sflag:$0x1] =	stream.indirect.gather [hbm4b:s5+s6], $0x80, s2, s6, $0xb8;
	[tilespmem:$0x10200] =	vst v63  }
0xc: {  	_ =	swait.ge [sflag:s7], $0x10000  }
0xd: {  	s16 =	sadd.s32 $0x10A00, s8;
	s28 =	sshll.u32 s15, $0x4;
	[sflag:s7] =	ssyncset.done $0x0  }
0xe: {  	s8 =	sadd.s32 s16, s28;
	[sflag:s7] =	ssyncadd.s32 $0xFFFF0000  }
0xf: {  	[hbm4b:s8+s2] =	stream.linear.scatter [tilespmem:s6], [sflag:$0x2], $0x10000, $0x38;
	[tilespmem:$0x10200] =	vst v63  }
0x10: {  	s10 =	sor.u32 $0x200, s15;
	_ =	swait.ge [sflag:s3], $0x10000  }
0x11: {  	s9 =	sshrl.u32 s10, $0x3;
	[sflag:s3] =	ssyncset.done $0x0  }
0x12: {  	s9 =	sadd.s32 s13, s9;
	[sflag:s3] =	ssyncadd.s32 $0xFFFF0000  }
0x13: {  	[tilespmem:s2], [sflag:$0x2] =	stream.linear.gather [hbm4b:s9+s2], $0x200, $0x38;
	[tilespmem:$0x10200] =	vst v63  }
0x14: {  	_ =	swait.ge [sflag:s3], $0x200  }
0x15: {  	[sflag:s3] =	ssyncset.done $0x0  }
0x16: {  	[sflag:s3] =	ssyncadd.s32 $0xFFFFFE00  }
0x17: {  	[tilespmem:s6], [sflag:$0x1] =	stream.indirect.gather [hbm4b:s5+s6], $0x80, s2, s6, $0xb8;
	[tilespmem:$0x10200] =	vst v63  }
0x18: {  	_ =	swait.ge [sflag:s7], $0x10000  }
0x19: {  	s10 =	sshll.u32 s10, $0x4;
	[sflag:s7] =	ssyncset.done $0x0  }
0x1a: {  	s10 =	sadd.s32 s16, s10;
	[sflag:s7] =	ssyncadd.s32 $0xFFFF0000  }
0x1b: {  	[hbm4b:s10+s2] =	stream.linear.scatter [tilespmem:s6], [sflag:$0x2], $0x10000, $0x38;
	[tilespmem:$0x10200] =	vst v63  }
0x1c: {  	s12 =	sor.u32 $0x400, s15;
	_ =	swait.ge [sflag:s3], $0x10000  }
0x1d: {  	s11 =	sshrl.u32 s12, $0x3;
	[sflag:s3] =	ssyncset.done $0x0  }
0x1e: {  	s11 =	sadd.s32 s13, s11;
	[sflag:s3] =	ssyncadd.s32 $0xFFFF0000  }
0x1f: {  	[tilespmem:s2], [sflag:$0x2] =	stream.linear.gather [hbm4b:s11+s2], $0x200, $0x38;
	[tilespmem:$0x10200] =	vst v63  }
0x20: {  	_ =	swait.ge [sflag:s3], $0x200  }
0x21: {  	[sflag:s3] =	ssyncset.done $0x0  }
0x22: {  	[sflag:s3] =	ssyncadd.s32 $0xFFFFFE00  }
0x23: {  	[tilespmem:s6], [sflag:$0x1] =	stream.indirect.gather [hbm4b:s5+s6], $0x80, s2, s6, $0xb8;
	[tilespmem:$0x10200] =	vst v63  }
0x24: {  	_ =	swait.ge [sflag:s7], $0x10000  }
0x25: {  	s12 =	sshll.u32 s12, $0x4;
	[sflag:s7] =	ssyncset.done $0x0  }
0x26: {  	s12 =	sadd.s32 s16, s12;
	[sflag:s7] =	ssyncadd.s32 $0xFFFF0000  }
0x27: {  	[hbm4b:s12+s2] =	stream.linear.scatter [tilespmem:s6], [sflag:$0x2], $0x10000, $0x38;
	[tilespmem:$0x10200] =	vst v63  }
0x28: {  	s15 =	sor.u32 $0x600, s15;
	_ =	swait.ge [sflag:s3], $0x10000  }
0x29: {  	s17 =	sshrl.u32 s15, $0x3;
	[sflag:s3] =	ssyncset.done $0x0  }
0x2a: {  	s14 =	ssub.s32 $0x2, s14;
	s13 =	sadd.s32 s13, s17;
	[sflag:s3] =	ssyncadd.s32 $0xFFFF0000  }
0x2b: {  	[tilespmem:s2], [sflag:$0x2] =	stream.linear.gather [hbm4b:s13+s2], $0x200, $0x38;
	[tilespmem:$0x10200] =	vst v63  }
0x2c: {  	s29 =	sshrl.u32 s14, $0x1;
	_ =	swait.ge [sflag:s3], $0x200  }
0x2d: {  	s17 =	ssub.s32 s14, s29;
	[sflag:s3] =	ssyncset.done $0x0  }
0x2e: {  	s31 =	smax.u32 s17, $0x1;
	[sflag:s3] =	ssyncadd.s32 $0xFFFFFE00  }
0x2f: {  	[tilespmem:s6], [sflag:$0x1] =	stream.indirect.gather [hbm4b:s5+s6], $0x80, s2, s6, $0xb8;
	[tilespmem:$0x10200] =	vst v63  }
0x30: {  	p0 =	sne.s32 s31, $0x1;
	_ =	swait.ge [sflag:s7], $0x10000  }
.Ltmp0:
0x31: {  	s30 =	sshll.u32 s15, $0x4;
	[sflag:s7] =	ssyncset.done $0x0;
	(pc) =	sbr.rel @!p0 .LBB2_2-.Ltmp0, $4  }
0x32: {  	s14 =	sadd.s32 s16, s30;
	[sflag:s7] =	ssyncadd.s32 $0xFFFF0000  }
0x33: {  	[hbm4b:s14+s2] =	stream.linear.scatter [tilespmem:s6], [sflag:$0x2], $0x10000, $0x38;
	[tilespmem:$0x10200] =	vst v63  }
0x34: {  	_ =	swait.ge [sflag:s3], $0x10000  }
0x35: {  	s15 =	sadd.s32 $0xFFFFFFFF, s31;
	[sflag:s3] =	ssyncset.done $0x0  }
.LBB2_1:
0x36: {  	p0 =	sne.s32 s15, $0x1;
	s15 =	sadd.s32 $0xFFFFFFFF, s15;
	[sflag:s3] =	ssyncadd.s32 $0xFFFF0000  }
0x37: {  	[tilespmem:s2], [sflag:$0x2] =	stream.linear.gather [hbm4b:s4+s2], $0x200, $0x38;
	[tilespmem:$0x10200] =	vst v63  }
0x38: {  	_ =	swait.ge [sflag:s3], $0x200  }
0x39: {  	[sflag:s3] =	ssyncset.done $0x0  }
0x3a: {  	[sflag:s3] =	ssyncadd.s32 $0xFFFFFE00  }
0x3b: {  	[tilespmem:s6], [sflag:$0x1] =	stream.indirect.gather [hbm4b:s5+s6], $0x80, s2, s6, $0xb8;
	[tilespmem:$0x10200] =	vst v63  }
0x3c: {  	_ =	swait.ge [sflag:s7], $0x10000  }
0x3d: {  	[sflag:s7] =	ssyncset.done $0x0  }
0x3e: {  	[sflag:s7] =	ssyncadd.s32 $0xFFFF0000  }
0x3f: {  	[hbm4b:s8+s2] =	stream.linear.scatter [tilespmem:s6], [sflag:$0x2], $0x10000, $0x38;
	[tilespmem:$0x10200] =	vst v63  }
0x40: {  	_ =	swait.ge [sflag:s3], $0x10000  }
0x41: {  	[sflag:s3] =	ssyncset.done $0x0  }
0x42: {  	[sflag:s3] =	ssyncadd.s32 $0xFFFF0000  }
0x43: {  	[tilespmem:s2], [sflag:$0x2] =	stream.linear.gather [hbm4b:s9+s2], $0x200, $0x38;
	[tilespmem:$0x10200] =	vst v63  }
0x44: {  	_ =	swait.ge [sflag:s3], $0x200  }
0x45: {  	[sflag:s3] =	ssyncset.done $0x0  }
0x46: {  	[sflag:s3] =	ssyncadd.s32 $0xFFFFFE00  }
0x47: {  	[tilespmem:s6], [sflag:$0x1] =	stream.indirect.gather [hbm4b:s5+s6], $0x80, s2, s6, $0xb8;
	[tilespmem:$0x10200] =	vst v63  }
0x48: {  	_ =	swait.ge [sflag:s7], $0x10000  }
0x49: {  	[sflag:s7] =	ssyncset.done $0x0  }
0x4a: {  	[sflag:s7] =	ssyncadd.s32 $0xFFFF0000  }
0x4b: {  	[hbm4b:s10+s2] =	stream.linear.scatter [tilespmem:s6], [sflag:$0x2], $0x10000, $0x38;
	[tilespmem:$0x10200] =	vst v63  }
0x4c: {  	_ =	swait.ge [sflag:s3], $0x10000  }
0x4d: {  	[sflag:s3] =	ssyncset.done $0x0  }
0x4e: {  	[sflag:s3] =	ssyncadd.s32 $0xFFFF0000  }
0x4f: {  	[tilespmem:s2], [sflag:$0x2] =	stream.linear.gather [hbm4b:s11+s2], $0x200, $0x38;
	[tilespmem:$0x10200] =	vst v63  }
0x50: {  	_ =	swait.ge [sflag:s3], $0x200  }
0x51: {  	[sflag:s3] =	ssyncset.done $0x0  }
0x52: {  	[sflag:s3] =	ssyncadd.s32 $0xFFFFFE00  }
0x53: {  	[tilespmem:s6], [sflag:$0x1] =	stream.indirect.gather [hbm4b:s5+s6], $0x80, s2, s6, $0xb8;
	[tilespmem:$0x10200] =	vst v63  }
0x54: {  	_ =	swait.ge [sflag:s7], $0x10000  }
0x55: {  	[sflag:s7] =	ssyncset.done $0x0  }
0x56: {  	[sflag:s7] =	ssyncadd.s32 $0xFFFF0000  }
0x57: {  	[hbm4b:s12+s2] =	stream.linear.scatter [tilespmem:s6], [sflag:$0x2], $0x10000, $0x38;
	[tilespmem:$0x10200] =	vst v63  }
0x58: {  	_ =	swait.ge [sflag:s3], $0x10000  }
0x59: {  	[sflag:s3] =	ssyncset.done $0x0  }
0x5a: {  	[sflag:s3] =	ssyncadd.s32 $0xFFFF0000  }
0x5b: {  	[tilespmem:s2], [sflag:$0x2] =	stream.linear.gather [hbm4b:s13+s2], $0x200, $0x38;
	[tilespmem:$0x10200] =	vst v63  }
0x5c: {  	_ =	swait.ge [sflag:s3], $0x200  }
0x5d: {  	[sflag:s3] =	ssyncset.done $0x0  }
0x5e: {  	[sflag:s3] =	ssyncadd.s32 $0xFFFFFE00  }
0x5f: {  	[tilespmem:s6], [sflag:$0x1] =	stream.indirect.gather [hbm4b:s5+s6], $0x80, s2, s6, $0xb8;
	[tilespmem:$0x10200] =	vst v63  }
0x60: {  	_ =	swait.ge [sflag:s7], $0x10000  }
.Ltmp1:
0x61: {  	[sflag:s7] =	ssyncset.done $0x0;
	(pc) =	sbr.rel @p0 .LBB2_1-.Ltmp1, $4  }
0x62: {  	[sflag:s7] =	ssyncadd.s32 $0xFFFF0000  }
0x63: {  	[hbm4b:s14+s2] =	stream.linear.scatter [tilespmem:s6], [sflag:$0x2], $0x10000, $0x38;
	[tilespmem:$0x10200] =	vst v63  }
0x64: {  	_ =	swait.ge [sflag:s3], $0x10000  }
0x65: {  	[sflag:s3] =	ssyncset.done $0x0  }
.LBB2_2:
0x66: {  	[sflag:s3] =	ssyncadd.s32 $0xFFFF0000  }
0x67: {  	_ =	sfence.sel $0x180000  }
0x68: {  	[bflag:$0x0] =	sbarrier.arrive $0xFFFF  }
0x69: {  	p0 =	sne.s32 s0, $0x0;
	_ =	strace $0x90000047  }
0x6a: {  	s0 =	sadd.s32 @!p0 $0x100000, s1;
	[bflag:$0x2] =	sbarrier.arrive $0xFFFF  }
0x6b: {  	[sflag:s0] =	ssyncadd.tile.s32 @!p0 $0x1;
	_ =	shalt  }
.Lfunc_end2:
_tile_overlayer_lowered:
.L_overlay_start_2:
0x6c: {  	(tag) =	ssettag $0x2  }
0x6d: {  	s0 =	rddreg [dreg:$0x0];
	s2 =	stileid.u32  }
0x6e: {  	s1 =	rddreg [dreg:$0x1];
	p0 =	sne.s32 s2, $0x0  }
0x6f: {  	s3 =	rddreg [dreg:$0x2];
	[bflag:$0x3] =	sbarrier.arrive $0xFFFF;
	s2 =	simm.s32 @!p0 $0x1C02  }
0x70: {  	[timem:s3], [sflag:s2] =	dma.local @!p0 [hbm:s0], s1  }
0x71: {  	s0 =	simm.s32 @!p0 $0x2  }
0x72: {  	_ =	swait.ge @!p0 [sflag:s0], s1  }
0x73: {  	s1 =	ssub.s32 @!p0 $0x0, s1;
	[sflag:s0] =	ssyncset.done @!p0 $0x0  }
0x74: {  	[sflag:s0] =	ssyncadd.s32 @!p0 s1  }
0x75: {  	[bflag:$0x3] =	sbarrier.arrive $0xFFFF  }
0x76: {  	_ =	shalt  }

</sc_bundles>
